<compile_context>
chip_gen: v7x
topology: tpu7x:2x2x1
jax: 0.10.2.dev20260603
libtpu: 0.0.44.dev20260713+nightly
codegen_flags: <defaults>
</compile_context>

<pallas_src>
import functools

import jax
import jax.numpy as jnp
from jax import lax
from jax.experimental import pallas as pl
from jax.experimental.pallas import tpu as pltpu
from jax.experimental.pallas import tpu_sc as plsc

N = 10000
E = 160000
B = 128
D_IN = 1280
D = 256
DH = 128

NC = 2
NS = 16

CH = 128
EP = 163840
ROWS_E = EP // CH
TROWS_AGG = ROWS_E // NS
TROWS_DEG = ROWS_E // (NC * NS)

NPAD = 10240
ROWS_PT = NPAD // NS

BN = 1000
NB = N // BN

_SC_MESH = plsc.VectorSubcoreMesh(core_axis_name="c", subcore_axis_name="s")


@functools.partial(
    pl.kernel,
    out_type=jax.ShapeDtypeStruct((NC * NPAD, 128), jnp.float32),
    mesh=_SC_MESH,
    scratch_types=[
        pltpu.VMEM((TROWS_DEG, CH), jnp.int32),
        pltpu.VMEM((CH, 128), jnp.float32),
        pltpu.VMEM_SHARED((NPAD, 128), jnp.float32),
        pltpu.SemaphoreType.DMA,
    ],
)
def _deg_kernel(dst2d_hbm, zeros_hbm, ones_hbm, out_hbm, idx_v, ones_v, acc_sh, sem):
    c = lax.axis_index("c")
    s = lax.axis_index("s")
    row0 = s * ROWS_PT
    pltpu.sync_copy(zeros_hbm.at[pl.ds(row0, ROWS_PT)], acc_sh.at[pl.ds(row0, ROWS_PT)])
    pltpu.sync_copy(ones_hbm, ones_v)
    wid = c * NS + s
    pltpu.sync_copy(dst2d_hbm.at[pl.ds(wid * TROWS_DEG, TROWS_DEG)], idx_v)
    plsc.subcore_barrier()

    def fire(k, carry):
        pltpu.async_copy(ones_v, acc_sh.at[idx_v.at[k]], sem, add=True)
        return carry

    lax.fori_loop(0, TROWS_DEG, fire, 0)

    def drain(k, carry):
        pltpu.make_async_copy(ones_v, acc_sh.at[idx_v.at[0]], sem).wait()
        return carry

    lax.fori_loop(0, TROWS_DEG, drain, 0)
    plsc.subcore_barrier()
    out_row = c * NPAD + row0
    pltpu.sync_copy(acc_sh.at[pl.ds(row0, ROWS_PT)], out_hbm.at[pl.ds(out_row, ROWS_PT)])


def _tc1_body(p_ref, x_ref, wt_ref, bt_ref, wg_ref, out_ref):
    deg = 1.0 + p_ref[0][:, 0:1] + p_ref[1][:, 0:1]
    dinv = lax.rsqrt(deg)
    h = jnp.maximum(
        jnp.dot(x_ref[...], wt_ref[...], preferred_element_type=jnp.float32)
        + bt_ref[...], 0.0)
    hw = jnp.dot(h.astype(jnp.bfloat16), wg_ref[...],
                 preferred_element_type=jnp.float32)
    hws = hw * dinv
    out_ref[0] = hws[:, :DH]
    out_ref[1] = hws[:, DH:]


def _tc1(p3, x, W_text, b_text, W_gcn):
    return pl.pallas_call(
        _tc1_body,
        grid=(NB,),
        in_specs=[
            pl.BlockSpec((2, BN, 128), lambda i: (0, i, 0)),
            pl.BlockSpec((BN, D_IN), lambda i: (i, 0)),
            pl.BlockSpec((D_IN, D), lambda i: (0, 0)),
            pl.BlockSpec((1, D), lambda i: (0, 0)),
            pl.BlockSpec((D, D), lambda i: (0, 0)),
        ],
        out_specs=pl.BlockSpec((2, BN, DH), lambda i: (0, i, 0)),
        out_shape=jax.ShapeDtypeStruct((2, NPAD, DH), jnp.float32),
    )(p3, x.astype(jnp.bfloat16), W_text.astype(jnp.bfloat16),
      b_text.reshape(1, D), W_gcn.astype(jnp.bfloat16))


@functools.partial(
    pl.kernel,
    out_type=jax.ShapeDtypeStruct((NC * NPAD, DH), jnp.float32),
    mesh=_SC_MESH,
    scratch_types=[
        pltpu.VMEM((TROWS_AGG // 2, CH), jnp.int32),
        pltpu.VMEM((TROWS_AGG // 2, CH), jnp.int32),
        pltpu.VMEM((CH, DH), jnp.float32),
        pltpu.VMEM((CH, DH), jnp.float32),
        pltpu.VMEM_SHARED((NPAD, DH), jnp.float32),
        pltpu.SemaphoreType.DMA,
        pltpu.SemaphoreType.DMA,
    ],
)
def _agg_kernel(table_hbm, srccat_hbm, dst2d_hbm, out_hbm, src_v, dst_v,
                rows0_v, rows1_v, acc_sh, sem0, sem1):
    c = lax.axis_index("c")
    s = lax.axis_index("s")
    row0 = s * ROWS_PT
    tab0 = c * NPAD
    pltpu.sync_copy(table_hbm.at[pl.ds(tab0 + row0, ROWS_PT)],
                    acc_sh.at[pl.ds(row0, ROWS_PT)])
    plsc.subcore_barrier()

    rows = (rows0_v, rows1_v)
    sems = (sem0, sem1)
    HROWS = TROWS_AGG // 2
    SUBG = 4
    SUB = CH // SUBG

    def start(k, b):
        for q in range(SUBG):
            pltpu.async_copy(table_hbm.at[src_v.at[k, pl.ds(q * SUB, SUB)]],
                             rows[b].at[pl.ds(q * SUB, SUB)], sems[b])

    def wait(b):
        for q in range(SUBG):
            pltpu.make_async_copy(table_hbm.at[src_v.at[0, pl.ds(0, SUB)]],
                                  rows[b].at[pl.ds(q * SUB, SUB)], sems[b]).wait()

    for h in range(2):
        pltpu.sync_copy(
            srccat_hbm.at[pl.ds(c * ROWS_E + s * TROWS_AGG + h * HROWS, HROWS)],
            src_v)
        pltpu.sync_copy(dst2d_hbm.at[pl.ds(s * TROWS_AGG + h * HROWS, HROWS)],
                        dst_v)
        start(0, 0)
        start(1, 1)

        def outer(t, carry):
            for b in range(2):
                k = 2 * t + b
                wait(b)
                pltpu.sync_copy(rows[b], acc_sh.at[dst_v.at[k]], add=True)

                @pl.when(k + 2 < HROWS)
                def _():
                    start(k + 2, b)
            return carry

        lax.fori_loop(0, HROWS // 2, outer, 0)
    plsc.subcore_barrier()
    pltpu.sync_copy(acc_sh.at[pl.ds(row0, ROWS_PT)],
                    out_hbm.at[pl.ds(tab0 + row0, ROWS_PT)])


def _tc2_body(acc_ref, p_ref, bg_ref, batch_ref, root_ref,
              wv1_ref, wo1_ref, bv1_ref, bo1_ref,
              wv2_ref, wo2_ref, bv2_ref, bo2_ref,
              out_ref, sums_ref, cnt_ref, rootf_ref):
    i = pl.program_id(0)

    @pl.when(i == 0)
    def _init():
        sums_ref[...] = jnp.zeros_like(sums_ref)
        cnt_ref[...] = jnp.zeros_like(cnt_ref)
        rootf_ref[...] = jnp.zeros_like(rootf_ref)

    deg = 1.0 + p_ref[0][:, 0:1] + p_ref[1][:, 0:1]
    dinv = lax.rsqrt(deg)
    x2 = jnp.concatenate([acc_ref[0], acc_ref[1]], axis=1) * dinv + bg_ref[...]
    xr = jnp.maximum(x2, 0.0)

    bb = batch_ref[0]
    iob = lax.broadcasted_iota(jnp.int32, (B, BN), 0)
    oh = jnp.where(bb == iob, 1.0, 0.0)
    sums_ref[...] += jnp.dot(oh, xr, preferred_element_type=jnp.float32)
    cnt_ref[...] += jnp.sum(oh, axis=1, keepdims=True)

    glob = lax.broadcasted_iota(jnp.int32, (B, BN), 1) + i * BN
    ohr = jnp.where(root_ref[...] == glob, 1.0, 0.0)
    rootf_ref[...] += jnp.dot(ohr, x2, preferred_element_type=jnp.float32)

    @pl.when(i == NB - 1)
    def _fin():
        Wf1 = jnp.dot(wv1_ref[...], wo1_ref[...], preferred_element_type=jnp.float32)
        bf1 = jnp.dot(bv1_ref[...], wo1_ref[...], preferred_element_type=jnp.float32) + bo1_ref[...]
        Wf2 = jnp.dot(wv2_ref[...], wo2_ref[...], preferred_element_type=jnp.float32)
        bf2 = jnp.dot(bv2_ref[...], wo2_ref[...], preferred_element_type=jnp.float32) + bo2_ref[...]
        cnt = cnt_ref[...]
        clipc = jnp.maximum(cnt, 1.0)
        o1 = (jnp.dot(sums_ref[...], Wf1, preferred_element_type=jnp.float32)
              + cnt * bf1) / clipc
        o2 = ((jnp.dot(rootf_ref[...], Wf2, preferred_element_type=jnp.float32)
               + bf2) * jnp.where(cnt > 0.0, 1.0, 0.0))
        out_ref[...] = jnp.concatenate([o1, o2], axis=1)


def _tc2(acc3, p3, b_gcn, batch3, root2, Wv1, Wo1, bv1, bo1, Wv2, Wo2, bv2, bo2):
    full = lambda shape: pl.BlockSpec(shape, lambda i: tuple(0 for _ in shape))
    return pl.pallas_call(
        _tc2_body,
        grid=(NB,),
        in_specs=[
            pl.BlockSpec((2, BN, DH), lambda i: (0, i, 0)),
            pl.BlockSpec((2, BN, 128), lambda i: (0, i, 0)),
            full((1, D)),
            pl.BlockSpec((1, 1, BN), lambda i: (i, 0, 0)),
            full((B, 1)),
            full((D, D)), full((D, D)), full((1, D)), full((1, D)),
            full((D, D)), full((D, D)), full((1, D)), full((1, D)),
        ],
        out_specs=pl.BlockSpec((B, 2 * D), lambda i: (0, 0)),
        out_shape=jax.ShapeDtypeStruct((B, 2 * D), jnp.float32),
        scratch_shapes=[
            pltpu.VMEM((B, D), jnp.float32),
            pltpu.VMEM((B, 1), jnp.float32),
            pltpu.VMEM((B, D), jnp.float32),
        ],
    )(acc3, p3, b_gcn.reshape(1, D), batch3, root2,
      Wv1, Wo1, bv1.reshape(1, D), bo1.reshape(1, D),
      Wv2, Wo2, bv2.reshape(1, D), bo2.reshape(1, D))


def kernel(x, edge_index, rootindex, batch, W_text, b_text, W_gcn, b_gcn,
           Wq1, bq1, Wk1, bk1, Wv1, bv1, Wq2, bq2, Wk2, bk2, Wv2, bv2,
           Wo1, bo1, Wo2, bo2):
    src = edge_index[0]
    dst = edge_index[1]

    pad = jnp.full((EP - E,), N, jnp.int32)
    src2d = jnp.concatenate([src, pad]).reshape(ROWS_E, CH)
    srccat = jnp.concatenate([src2d, src2d + NPAD], axis=0)
    dst2d = jnp.concatenate([dst, pad]).reshape(ROWS_E, CH)

    zeros128 = jnp.zeros((NPAD, 128), jnp.float32)
    ones128 = jnp.ones((CH, 128), jnp.float32)

    partials = _deg_kernel(dst2d, zeros128, ones128)
    p3 = partials.reshape(NC, NPAD, 128)

    hws2 = _tc1(p3, x, W_text, b_text, W_gcn)
    table = hws2.reshape(NC * NPAD, DH)

    acc = _agg_kernel(table, srccat, dst2d)

    return _tc2(acc.reshape(NC, NPAD, DH), p3, b_gcn,
                batch.reshape(NB, 1, BN), rootindex.reshape(B, 1),
                Wv1, Wo1, bv1, bo1, Wv2, Wo2, bv2, bo2)

# --- scband reference (transcript-rebuilt; emitter-appended) ---
"""Pipeline reference for scband-fe-gcn-17025250361485 (READ-ONLY COPY).

The authoritative reference and input builder live on the scoring server;
editing this copy changes nothing except your own understanding.
"""

import jax, jax.numpy as jnp
import numpy as np

N = 10000
E = 160000
B = 128
D_IN = 1280
D = 256
H = 8


def _lin_params(key, fin, fout):
    kw, kb = jax.random.split(key)
    bound = 1.0 / np.sqrt(fin)
    W = jax.random.uniform(kw, (fin, fout), minval=-bound, maxval=bound, dtype=jnp.float32)
    b = jax.random.uniform(kb, (fout,), minval=-bound, maxval=bound, dtype=jnp.float32)
    return W, b


def setup_inputs(seed: int = 0) -> dict:
    key = jax.random.key(seed)
    ks = jax.random.split(key, 16)
    inp = {}
    inp["x"] = jax.random.normal(ks[0], (N, D_IN), dtype=jnp.float32)
    inp["edge_index"] = jax.random.randint(ks[1], (2, E), 0, N, dtype=jnp.int32)
    inp["rootindex"] = jax.random.randint(ks[2], (B,), 0, N, dtype=jnp.int32)
    inp["batch"] = jnp.sort(jax.random.randint(ks[3], (N,), 0, B, dtype=jnp.int32))
    inp["W_text"], inp["b_text"] = _lin_params(ks[4], D_IN, D)
    inp["W_gcn"], inp["b_gcn"] = _lin_params(ks[5], D, D)
    inp["Wq1"], inp["bq1"] = _lin_params(ks[6], D, D)
    inp["Wk1"], inp["bk1"] = _lin_params(ks[7], D, D)
    inp["Wv1"], inp["bv1"] = _lin_params(ks[8], D, D)
    inp["Wq2"], inp["bq2"] = _lin_params(ks[9], D, D)
    inp["Wk2"], inp["bk2"] = _lin_params(ks[10], D, D)
    inp["Wv2"], inp["bv2"] = _lin_params(ks[11], D, D)
    inp["Wo1"], inp["bo1"] = _lin_params(ks[12], D, D)
    inp["Wo2"], inp["bo2"] = _lin_params(ks[13], D, D)
    return inp


def reference(x, edge_index, rootindex, batch, W_text, b_text, W_gcn, b_gcn,
              Wq1, bq1, Wk1, bk1, Wv1, bv1, Wq2, bq2, Wk2, bk2, Wv2, bv2,
              Wo1, bo1, Wo2, bo2):
    # text_fc -> dropout(eval) -> relu
    h = jax.nn.relu(x @ W_text + b_text)

    # GCNConv with self-loops and symmetric normalization
    src = edge_index[0]
    dst = edge_index[1]
    loop = jnp.arange(N, dtype=src.dtype)
    src2 = jnp.concatenate([src, loop])
    dst2 = jnp.concatenate([dst, loop])
    deg = jax.ops.segment_sum(jnp.ones_like(src2, dtype=h.dtype), dst2, num_segments=N)
    dinv = jnp.where(deg > 0, deg ** -0.5, 0.0)
    norm = dinv[src2] * dinv[dst2]
    hw = h @ W_gcn
    msg = jnp.take(hw, src2, axis=0) * norm[:, None]
    x2 = jax.ops.segment_sum(msg, dst2, num_segments=N) + b_gcn

    xr = jax.nn.relu(x2)

    # root_extend[i] = x2[rootindex[batch[i]]]
    root_feats = jnp.take(x2, rootindex, axis=0)
    root_extend = jnp.take(root_feats, batch, axis=0)

    # CoSelfAttention (seq_len=1 per node)
    dh = D // H
    scale = 1.0 / np.sqrt(dh)

    def heads(t):
        return t.reshape(N, 1, H, dh).transpose(0, 2, 1, 3)

    q1 = heads(xr @ Wq1 + bq1)
    k1 = heads(xr @ Wk1 + bk1)
    v1 = heads(xr @ Wv1 + bv1)
    q2 = heads(root_extend @ Wq2 + bq2)
    k2 = heads(root_extend @ Wk2 + bk2)
    v2 = heads(root_extend @ Wv2 + bv2)

    s1 = jnp.einsum('nhqd,nhkd->nhqk', q2, k1) * scale
    p1 = jax.nn.softmax(s1, axis=-1)
    c1 = jnp.einsum('nhqk,nhkd->nhqd', p1, v1).transpose(0, 2, 1, 3).reshape(N, D)

    s2 = jnp.einsum('nhqd,nhkd->nhqk', q1, k2) * scale
    p2 = jax.nn.softmax(s2, axis=-1)
    c2 = jnp.einsum('nhqk,nhkd->nhqd', p2, v2).transpose(0, 2, 1, 3).reshape(N, D)

    c1 = c1 @ Wo1 + bo1
    c2 = c2 @ Wo2 + bo2

    xc = jnp.concatenate([c1, c2], axis=1)

    # scatter_mean over batch
    sums = jax.ops.segment_sum(xc, batch, num_segments=B)
    cnt = jax.ops.segment_sum(jnp.ones((N,), xc.dtype), batch, num_segments=B)
    return sums / jnp.clip(cnt, 1.0)[:, None]

if __name__ == "__main__":
    import jax
    _d = setup_inputs()
    print(jax.jit(kernel)(*tuple(_d.values())))

</pallas_src>

<mosaic_0001>
#map = affine_map<(d0, d1) -> (0, 0)>
module attributes {stable_mosaic.version = 14 : i64} {
  func.func @_deg_kernel(%arg0: i32, %arg1: i32, %arg2: memref<1280x128xi32, #tpu.memory_space<hbm>>, %arg3: memref<10240x128xf32, #tpu.memory_space<hbm>>, %arg4: memref<128x128xf32, #tpu.memory_space<hbm>>, %arg5: memref<20480x128xf32, #tpu.memory_space<hbm>>, %arg6: memref<40x128xi32, #tpu.memory_space<vmem>>, %arg7: memref<128x128xf32, #tpu.memory_space<vmem>>, %arg8: memref<10240x128xf32, #tpu.memory_space<vmem_shared>>, %arg9: memref<!tpu.dma_semaphore, #tpu.memory_space<semaphore_mem>>) attributes {dimension_semantics = [#tpu.dimension_semantics<core_parallel>, #tpu.dimension_semantics<subcore_parallel>], iteration_bounds = array<i64: 2, 16>, scalar_prefetch = 0 : i64, scratch_operands = 4 : i64, tpu.core_type = #tpu.core_type<sc_vector_subcore>, window_params = [{transform_indices = #map}, {transform_indices = #map}, {transform_indices = #map}, {transform_indices = #map}]} {
    %mul3A = arith.constant 640 : i32
    %mul3A_0 = arith.muli %arg1, %mul3A : i32
    "tpu.region"() ({
      %run_scoped3A = tpu.sem_alloc : memref<!tpu.dma_semaphore, #tpu.memory_space<semaphore_mem>>
      %dma_start3A = arith.constant 0 : i32
      %dma_start3A_20 = tpu.memref_slice %arg8[%mul3A_0, %dma_start3A] : memref<10240x128xf32, #tpu.memory_space<vmem_shared>> -> memref<640x128xf32, #tpu.memory_space<vmem_shared>>
      %dma_start3A_21 = arith.constant 0 : i32
      %dma_start3A_22 = tpu.memref_slice %arg3[%mul3A_0, %dma_start3A_21] : memref<10240x128xf32, #tpu.memory_space<hbm>> -> memref<640x128xf32, #tpu.memory_space<hbm>>
      tpu.enqueue_dma source(%dma_start3A_22 : memref<640x128xf32, #tpu.memory_space<hbm>>) target(%dma_start3A_20 : memref<640x128xf32, #tpu.memory_space<vmem_shared>>) target_semaphore(%run_scoped3A : memref<!tpu.dma_semaphore, #tpu.memory_space<semaphore_mem>>)
      %dma_wait3A = arith.constant 0 : i32
      %dma_wait3A_23 = tpu.memref_slice %arg8[%mul3A_0, %dma_wait3A] : memref<10240x128xf32, #tpu.memory_space<vmem_shared>> -> memref<640x128xf32, #tpu.memory_space<vmem_shared>>
      %dma_wait3A_24 = arith.constant 0 : i32
      %dma_wait3A_25 = tpu.memref_slice %arg3[%mul3A_0, %dma_wait3A_24] : memref<10240x128xf32, #tpu.memory_space<hbm>> -> memref<640x128xf32, #tpu.memory_space<hbm>>
      tpu.wait_dma2 semaphore(%run_scoped3A : memref<!tpu.dma_semaphore, #tpu.memory_space<semaphore_mem>>) src(%dma_wait3A_25 : memref<640x128xf32, #tpu.memory_space<hbm>>) dst(%dma_wait3A_23 : memref<640x128xf32, #tpu.memory_space<vmem_shared>>)
      tpu.yield
    }) : () -> ()
    "tpu.region"() ({
      %run_scoped3A = tpu.sem_alloc : memref<!tpu.dma_semaphore, #tpu.memory_space<semaphore_mem>>
      tpu.enqueue_dma source(%arg4 : memref<128x128xf32, #tpu.memory_space<hbm>>) target(%arg7 : memref<128x128xf32, #tpu.memory_space<vmem>>) target_semaphore(%run_scoped3A : memref<!tpu.dma_semaphore, #tpu.memory_space<semaphore_mem>>)
      tpu.wait_dma2 semaphore(%run_scoped3A : memref<!tpu.dma_semaphore, #tpu.memory_space<semaphore_mem>>) src(%arg4 : memref<128x128xf32, #tpu.memory_space<hbm>>) dst(%arg7 : memref<128x128xf32, #tpu.memory_space<vmem>>)
      tpu.yield
    }) : () -> ()
    %mul3A_1 = arith.constant 16 : i32
    %mul3A_2 = arith.muli %arg0, %mul3A_1 : i32
    %add3A = arith.addi %mul3A_2, %arg1 : i32
    %mul3A_3 = arith.constant 40 : i32
    %mul3A_4 = arith.muli %add3A, %mul3A_3 : i32
    "tpu.region"() ({
      %run_scoped3A = tpu.sem_alloc : memref<!tpu.dma_semaphore, #tpu.memory_space<semaphore_mem>>
      %dma_start3A = arith.constant 0 : i32
      %dma_start3A_20 = tpu.memref_slice %arg2[%mul3A_4, %dma_start3A] : memref<1280x128xi32, #tpu.memory_space<hbm>> -> memref<40x128xi32, #tpu.memory_space<hbm>>
      %dma_start3A_21 = arith.constant 0 : i32
      %dma_start3A_22 = tpu.memref_slice %arg2[%mul3A_4, %dma_start3A_21] : memref<1280x128xi32, #tpu.memory_space<hbm>> -> memref<40x128xi32, #tpu.memory_space<hbm>>
      tpu.enqueue_dma source(%dma_start3A_22 : memref<40x128xi32, #tpu.memory_space<hbm>>) target(%arg6 : memref<40x128xi32, #tpu.memory_space<vmem>>) target_semaphore(%run_scoped3A : memref<!tpu.dma_semaphore, #tpu.memory_space<semaphore_mem>>)
      %dma_wait3A = arith.constant 0 : i32
      %dma_wait3A_23 = tpu.memref_slice %arg2[%mul3A_4, %dma_wait3A] : memref<1280x128xi32, #tpu.memory_space<hbm>> -> memref<40x128xi32, #tpu.memory_space<hbm>>
      %dma_wait3A_24 = arith.constant 0 : i32
      %dma_wait3A_25 = tpu.memref_slice %arg2[%mul3A_4, %dma_wait3A_24] : memref<1280x128xi32, #tpu.memory_space<hbm>> -> memref<40x128xi32, #tpu.memory_space<hbm>>
      tpu.wait_dma2 semaphore(%run_scoped3A : memref<!tpu.dma_semaphore, #tpu.memory_space<semaphore_mem>>) src(%dma_wait3A_25 : memref<40x128xi32, #tpu.memory_space<hbm>>) dst(%arg6 : memref<40x128xi32, #tpu.memory_space<vmem>>)
      tpu.yield
    }) : () -> ()
    %barrier3A = arith.constant 0 : index
    tpu.barrier barrier_id(%barrier3A)
    %scan3A = arith.constant 0 : i32
    %scan3A_5 = arith.constant 0 : i32
    %scan3A_6 = arith.constant 40 : i32
    %scan3A_7 = arith.addi %scan3A_5, %scan3A_6 : i32
    %scan3A_8 = arith.constant 1 : i32
    scf.for %scan3A_20 = %scan3A_5 to %scan3A_7 step %scan3A_8  : i32 {
      %dma_start3A = arith.constant 0 : i32
      %dma_start3A_21 = tpu.memref_slice %arg6[%scan3A_20, %dma_start3A] : memref<40x128xi32, #tpu.memory_space<vmem>> -> memref<1x128xi32, #tpu.memory_space<vmem>>
      %dma_start3A_22 = tpu.memref_squeeze %dma_start3A_21 : memref<1x128xi32, #tpu.memory_space<vmem>> -> memref<128xi32, #tpu.memory_space<vmem>>
      %dma_start3A_23 = arith.constant 0 : i32
      %dma_start3A_24 = arith.constant 0 : i32
      %dma_start3A_25 = tpu.memref_slice %arg8[%dma_start3A_23, %dma_start3A_24] : memref<10240x128xf32, #tpu.memory_space<vmem_shared>> -> memref<10240x128xf32, #tpu.memory_space<vmem_shared>>
      tpu.enqueue_indirect_dma source(%arg7 : memref<128x128xf32, #tpu.memory_space<vmem>>) target(%dma_start3A_25 : memref<10240x128xf32, #tpu.memory_space<vmem_shared>>) offsets(%dma_start3A_22 : memref<128xi32, #tpu.memory_space<vmem>>) semaphore(%arg9 : memref<!tpu.dma_semaphore, #tpu.memory_space<semaphore_mem>>) {add = true}
    }
    %scan3A_9 = arith.constant 40 : i32
    %scan3A_10 = arith.constant 0 : i32
    %scan3A_11 = arith.constant 0 : i32
    %scan3A_12 = arith.constant 40 : i32
    %scan3A_13 = arith.addi %scan3A_11, %scan3A_12 : i32
    %scan3A_14 = arith.constant 1 : i32
    scf.for %scan3A_20 = %scan3A_11 to %scan3A_13 step %scan3A_14  : i32 {
      %dma_wait3A = arith.constant 0 : i32
      %dma_wait3A_21 = arith.constant 0 : i32
      %dma_wait3A_22 = tpu.memref_slice %arg6[%dma_wait3A, %dma_wait3A_21] : memref<40x128xi32, #tpu.memory_space<vmem>> -> memref<1x128xi32, #tpu.memory_space<vmem>>
      %dma_wait3A_23 = tpu.memref_squeeze %dma_wait3A_22 : memref<1x128xi32, #tpu.memory_space<vmem>> -> memref<128xi32, #tpu.memory_space<vmem>>
      %dma_wait3A_24 = arith.constant 0 : i32
      %dma_wait3A_25 = arith.constant 0 : i32
      %dma_wait3A_26 = tpu.memref_slice %arg8[%dma_wait3A_24, %dma_wait3A_25] : memref<10240x128xf32, #tpu.memory_space<vmem_shared>> -> memref<10240x128xf32, #tpu.memory_space<vmem_shared>>
      tpu.wait_indirect_dma semaphore(%arg9 : memref<!tpu.dma_semaphore, #tpu.memory_space<semaphore_mem>>) src(%arg7 : memref<128x128xf32, #tpu.memory_space<vmem>>) dst(%dma_wait3A_26 : memref<10240x128xf32, #tpu.memory_space<vmem_shared>>)
    }
    %scan3A_15 = arith.constant 40 : i32
    %barrier3A_16 = arith.constant 0 : index
    tpu.barrier barrier_id(%barrier3A_16)
    %mul3A_17 = arith.constant 10240 : i32
    %mul3A_18 = arith.muli %arg0, %mul3A_17 : i32
    %add3A_19 = arith.addi %mul3A_18, %mul3A_0 : i32
    "tpu.region"() ({
      %run_scoped3A = tpu.sem_alloc : memref<!tpu.dma_semaphore, #tpu.memory_space<semaphore_mem>>
      %dma_start3A = arith.constant 0 : i32
      %dma_start3A_20 = tpu.memref_slice %arg5[%add3A_19, %dma_start3A] : memref<20480x128xf32, #tpu.memory_space<hbm>> -> memref<640x128xf32, #tpu.memory_space<hbm>>
      %dma_start3A_21 = arith.constant 0 : i32
      %dma_start3A_22 = tpu.memref_slice %arg8[%mul3A_0, %dma_start3A_21] : memref<10240x128xf32, #tpu.memory_space<vmem_shared>> -> memref<640x128xf32, #tpu.memory_space<vmem_shared>>
      tpu.enqueue_dma source(%dma_start3A_22 : memref<640x128xf32, #tpu.memory_space<vmem_shared>>) target(%dma_start3A_20 : memref<640x128xf32, #tpu.memory_space<hbm>>) target_semaphore(%run_scoped3A : memref<!tpu.dma_semaphore, #tpu.memory_space<semaphore_mem>>)
      %dma_wait3A = arith.constant 0 : i32
      %dma_wait3A_23 = tpu.memref_slice %arg5[%add3A_19, %dma_wait3A] : memref<20480x128xf32, #tpu.memory_space<hbm>> -> memref<640x128xf32, #tpu.memory_space<hbm>>
      %dma_wait3A_24 = arith.constant 0 : i32
      %dma_wait3A_25 = tpu.memref_slice %arg8[%mul3A_0, %dma_wait3A_24] : memref<10240x128xf32, #tpu.memory_space<vmem_shared>> -> memref<640x128xf32, #tpu.memory_space<vmem_shared>>
      tpu.wait_dma2 semaphore(%run_scoped3A : memref<!tpu.dma_semaphore, #tpu.memory_space<semaphore_mem>>) src(%dma_wait3A_25 : memref<640x128xf32, #tpu.memory_space<vmem_shared>>) dst(%dma_wait3A_23 : memref<640x128xf32, #tpu.memory_space<hbm>>)
      tpu.yield
    }) : () -> ()
    return
  }
}

#map = affine_map<(d0, d1) -> (0, 0)>
module attributes {stable_mosaic.version = 14 : i64} {
  func.func @_agg_kernel(%arg0: i32, %arg1: i32, %arg2: memref<20480x128xf32, #tpu.memory_space<hbm>>, %arg3: memref<2560x128xi32, #tpu.memory_space<hbm>>, %arg4: memref<1280x128xi32, #tpu.memory_space<hbm>>, %arg5: memref<20480x128xf32, #tpu.memory_space<hbm>>, %arg6: memref<40x128xi32, #tpu.memory_space<vmem>>, %arg7: memref<40x128xi32, #tpu.memory_space<vmem>>, %arg8: memref<128x128xf32, #tpu.memory_space<vmem>>, %arg9: memref<128x128xf32, #tpu.memory_space<vmem>>, %arg10: memref<10240x128xf32, #tpu.memory_space<vmem_shared>>, %arg11: memref<!tpu.dma_semaphore, #tpu.memory_space<semaphore_mem>>, %arg12: memref<!tpu.dma_semaphore, #tpu.memory_space<semaphore_mem>>) attributes {dimension_semantics = [#tpu.dimension_semantics<core_parallel>, #tpu.dimension_semantics<subcore_parallel>], iteration_bounds = array<i64: 2, 16>, scalar_prefetch = 0 : i64, scratch_operands = 7 : i64, tpu.core_type = #tpu.core_type<sc_vector_subcore>, window_params = [{transform_indices = #map}, {transform_indices = #map}, {transform_indices = #map}, {transform_indices = #map}]} {
    %mul3A = arith.constant 640 : i32
    %mul3A_0 = arith.muli %arg1, %mul3A : i32
    %mul3A_1 = arith.constant 10240 : i32
    %mul3A_2 = arith.muli %arg0, %mul3A_1 : i32
    %add3A = arith.addi %mul3A_2, %mul3A_0 : i32
    "tpu.region"() ({
      %run_scoped3A = tpu.sem_alloc : memref<!tpu.dma_semaphore, #tpu.memory_space<semaphore_mem>>
      %dma_start3A_197 = arith.constant 0 : i32
      %dma_start3A_198 = tpu.memref_slice %arg10[%mul3A_0, %dma_start3A_197] : memref<10240x128xf32, #tpu.memory_space<vmem_shared>> -> memref<640x128xf32, #tpu.memory_space<vmem_shared>>
      %dma_start3A_199 = arith.constant 0 : i32
      %dma_start3A_200 = tpu.memref_slice %arg2[%add3A, %dma_start3A_199] : memref<20480x128xf32, #tpu.memory_space<hbm>> -> memref<640x128xf32, #tpu.memory_space<hbm>>
      tpu.enqueue_dma source(%dma_start3A_200 : memref<640x128xf32, #tpu.memory_space<hbm>>) target(%dma_start3A_198 : memref<640x128xf32, #tpu.memory_space<vmem_shared>>) target_semaphore(%run_scoped3A : memref<!tpu.dma_semaphore, #tpu.memory_space<semaphore_mem>>)
      %dma_wait3A = arith.constant 0 : i32
      %dma_wait3A_201 = tpu.memref_slice %arg10[%mul3A_0, %dma_wait3A] : memref<10240x128xf32, #tpu.memory_space<vmem_shared>> -> memref<640x128xf32, #tpu.memory_space<vmem_shared>>
      %dma_wait3A_202 = arith.constant 0 : i32
      %dma_wait3A_203 = tpu.memref_slice %arg2[%add3A, %dma_wait3A_202] : memref<20480x128xf32, #tpu.memory_space<hbm>> -> memref<640x128xf32, #tpu.memory_space<hbm>>
      tpu.wait_dma2 semaphore(%run_scoped3A : memref<!tpu.dma_semaphore, #tpu.memory_space<semaphore_mem>>) src(%dma_wait3A_203 : memref<640x128xf32, #tpu.memory_space<hbm>>) dst(%dma_wait3A_201 : memref<640x128xf32, #tpu.memory_space<vmem_shared>>)
      tpu.yield
    }) : () -> ()
    %barrier3A = arith.constant 0 : index
    tpu.barrier barrier_id(%barrier3A)
    %mul3A_3 = arith.constant 1280 : i32
    %mul3A_4 = arith.muli %arg0, %mul3A_3 : i32
    %mul3A_5 = arith.constant 80 : i32
    %mul3A_6 = arith.muli %arg1, %mul3A_5 : i32
    %add3A_7 = arith.addi %mul3A_4, %mul3A_6 : i32
    %add3A_8 = arith.constant 0 : i32
    %add3A_9 = arith.addi %add3A_7, %add3A_8 : i32
    "tpu.region"() ({
      %run_scoped3A = tpu.sem_alloc : memref<!tpu.dma_semaphore, #tpu.memory_space<semaphore_mem>>
      %dma_start3A_197 = arith.constant 0 : i32
      %dma_start3A_198 = tpu.memref_slice %arg3[%add3A_9, %dma_start3A_197] : memref<2560x128xi32, #tpu.memory_space<hbm>> -> memref<40x128xi32, #tpu.memory_space<hbm>>
      %dma_start3A_199 = arith.constant 0 : i32
      %dma_start3A_200 = tpu.memref_slice %arg3[%add3A_9, %dma_start3A_199] : memref<2560x128xi32, #tpu.memory_space<hbm>> -> memref<40x128xi32, #tpu.memory_space<hbm>>
      tpu.enqueue_dma source(%dma_start3A_200 : memref<40x128xi32, #tpu.memory_space<hbm>>) target(%arg6 : memref<40x128xi32, #tpu.memory_space<vmem>>) target_semaphore(%run_scoped3A : memref<!tpu.dma_semaphore, #tpu.memory_space<semaphore_mem>>)
      %dma_wait3A = arith.constant 0 : i32
      %dma_wait3A_201 = tpu.memref_slice %arg3[%add3A_9, %dma_wait3A] : memref<2560x128xi32, #tpu.memory_space<hbm>> -> memref<40x128xi32, #tpu.memory_space<hbm>>
      %dma_wait3A_202 = arith.constant 0 : i32
      %dma_wait3A_203 = tpu.memref_slice %arg3[%add3A_9, %dma_wait3A_202] : memref<2560x128xi32, #tpu.memory_space<hbm>> -> memref<40x128xi32, #tpu.memory_space<hbm>>
      tpu.wait_dma2 semaphore(%run_scoped3A : memref<!tpu.dma_semaphore, #tpu.memory_space<semaphore_mem>>) src(%dma_wait3A_203 : memref<40x128xi32, #tpu.memory_space<hbm>>) dst(%arg6 : memref<40x128xi32, #tpu.memory_space<vmem>>)
      tpu.yield
    }) : () -> ()
    %mul3A_10 = arith.constant 80 : i32
    %mul3A_11 = arith.muli %arg1, %mul3A_10 : i32
    %add3A_12 = arith.constant 0 : i32
    %add3A_13 = arith.addi %mul3A_11, %add3A_12 : i32
    "tpu.region"() ({
      %run_scoped3A = tpu.sem_alloc : memref<!tpu.dma_semaphore, #tpu.memory_space<semaphore_mem>>
      %dma_start3A_197 = arith.constant 0 : i32
      %dma_start3A_198 = tpu.memref_slice %arg4[%add3A_13, %dma_start3A_197] : memref<1280x128xi32, #tpu.memory_space<hbm>> -> memref<40x128xi32, #tpu.memory_space<hbm>>
      %dma_start3A_199 = arith.constant 0 : i32
      %dma_start3A_200 = tpu.memref_slice %arg4[%add3A_13, %dma_start3A_199] : memref<1280x128xi32, #tpu.memory_space<hbm>> -> memref<40x128xi32, #tpu.memory_space<hbm>>
      tpu.enqueue_dma source(%dma_start3A_200 : memref<40x128xi32, #tpu.memory_space<hbm>>) target(%arg7 : memref<40x128xi32, #tpu.memory_space<vmem>>) target_semaphore(%run_scoped3A : memref<!tpu.dma_semaphore, #tpu.memory_space<semaphore_mem>>)
      %dma_wait3A = arith.constant 0 : i32
      %dma_wait3A_201 = tpu.memref_slice %arg4[%add3A_13, %dma_wait3A] : memref<1280x128xi32, #tpu.memory_space<hbm>> -> memref<40x128xi32, #tpu.memory_space<hbm>>
      %dma_wait3A_202 = arith.constant 0 : i32
      %dma_wait3A_203 = tpu.memref_slice %arg4[%add3A_13, %dma_wait3A_202] : memref<1280x128xi32, #tpu.memory_space<hbm>> -> memref<40x128xi32, #tpu.memory_space<hbm>>
      tpu.wait_dma2 semaphore(%run_scoped3A : memref<!tpu.dma_semaphore, #tpu.memory_space<semaphore_mem>>) src(%dma_wait3A_203 : memref<40x128xi32, #tpu.memory_space<hbm>>) dst(%arg7 : memref<40x128xi32, #tpu.memory_space<vmem>>)
      tpu.yield
    }) : () -> ()
    %dma_start3A = arith.constant 0 : i32
    %dma_start3A_14 = arith.constant 0 : i32
    %dma_start3A_15 = arith.constant 0 : i32
    %dma_start3A_16 = tpu.memref_slice %arg8[%dma_start3A_14, %dma_start3A_15] : memref<128x128xf32, #tpu.memory_space<vmem>> -> memref<32x128xf32, #tpu.memory_space<vmem>>
    %dma_start3A_17 = arith.constant 0 : i32
    %dma_start3A_18 = tpu.memref_slice %arg6[%dma_start3A, %dma_start3A_17] : memref<40x128xi32, #tpu.memory_space<vmem>> -> memref<1x32xi32, #tpu.memory_space<vmem>>
    %dma_start3A_19 = tpu.memref_squeeze %dma_start3A_18 : memref<1x32xi32, #tpu.memory_space<vmem>> -> memref<32xi32, #tpu.memory_space<vmem>>
    %dma_start3A_20 = arith.constant 0 : i32
    %dma_start3A_21 = arith.constant 0 : i32
    %dma_start3A_22 = tpu.memref_slice %arg2[%dma_start3A_20, %dma_start3A_21] : memref<20480x128xf32, #tpu.memory_space<hbm>> -> memref<20480x128xf32, #tpu.memory_space<hbm>>
    tpu.enqueue_indirect_dma source(%dma_start3A_22 : memref<20480x128xf32, #tpu.memory_space<hbm>>) target(%dma_start3A_16 : memref<32x128xf32, #tpu.memory_space<vmem>>) offsets(%dma_start3A_19 : memref<32xi32, #tpu.memory_space<vmem>>) semaphore(%arg11 : memref<!tpu.dma_semaphore, #tpu.memory_space<semaphore_mem>>)
    %dma_start3A_23 = arith.constant 0 : i32
    %dma_start3A_24 = arith.constant 32 : i32
    %dma_start3A_25 = arith.constant 0 : i32
    %dma_start3A_26 = tpu.memref_slice %arg8[%dma_start3A_24, %dma_start3A_25] : memref<128x128xf32, #tpu.memory_space<vmem>> -> memref<32x128xf32, #tpu.memory_space<vmem>>
    %dma_start3A_27 = arith.constant 32 : i32
    %dma_start3A_28 = tpu.memref_slice %arg6[%dma_start3A_23, %dma_start3A_27] : memref<40x128xi32, #tpu.memory_space<vmem>> -> memref<1x32xi32, #tpu.memory_space<vmem>>
    %dma_start3A_29 = tpu.memref_squeeze %dma_start3A_28 : memref<1x32xi32, #tpu.memory_space<vmem>> -> memref<32xi32, #tpu.memory_space<vmem>>
    %dma_start3A_30 = arith.constant 0 : i32
    %dma_start3A_31 = arith.constant 0 : i32
    %dma_start3A_32 = tpu.memref_slice %arg2[%dma_start3A_30, %dma_start3A_31] : memref<20480x128xf32, #tpu.memory_space<hbm>> -> memref<20480x128xf32, #tpu.memory_space<hbm>>
    tpu.enqueue_indirect_dma source(%dma_start3A_32 : memref<20480x128xf32, #tpu.memory_space<hbm>>) target(%dma_start3A_26 : memref<32x128xf32, #tpu.memory_space<vmem>>) offsets(%dma_start3A_29 : memref<32xi32, #tpu.memory_space<vmem>>) semaphore(%arg11 : memref<!tpu.dma_semaphore, #tpu.memory_space<semaphore_mem>>)
    %dma_start3A_33 = arith.constant 0 : i32
    %dma_start3A_34 = arith.constant 64 : i32
    %dma_start3A_35 = arith.constant 0 : i32
    %dma_start3A_36 = tpu.memref_slice %arg8[%dma_start3A_34, %dma_start3A_35] : memref<128x128xf32, #tpu.memory_space<vmem>> -> memref<32x128xf32, #tpu.memory_space<vmem>>
    %dma_start3A_37 = arith.constant 64 : i32
    %dma_start3A_38 = tpu.memref_slice %arg6[%dma_start3A_33, %dma_start3A_37] : memref<40x128xi32, #tpu.memory_space<vmem>> -> memref<1x32xi32, #tpu.memory_space<vmem>>
    %dma_start3A_39 = tpu.memref_squeeze %dma_start3A_38 : memref<1x32xi32, #tpu.memory_space<vmem>> -> memref<32xi32, #tpu.memory_space<vmem>>
    %dma_start3A_40 = arith.constant 0 : i32
    %dma_start3A_41 = arith.constant 0 : i32
    %dma_start3A_42 = tpu.memref_slice %arg2[%dma_start3A_40, %dma_start3A_41] : memref<20480x128xf32, #tpu.memory_space<hbm>> -> memref<20480x128xf32, #tpu.memory_space<hbm>>
    tpu.enqueue_indirect_dma source(%dma_start3A_42 : memref<20480x128xf32, #tpu.memory_space<hbm>>) target(%dma_start3A_36 : memref<32x128xf32, #tpu.memory_space<vmem>>) offsets(%dma_start3A_39 : memref<32xi32, #tpu.memory_space<vmem>>) semaphore(%arg11 : memref<!tpu.dma_semaphore, #tpu.memory_space<semaphore_mem>>)
    %dma_start3A_43 = arith.constant 0 : i32
    %dma_start3A_44 = arith.constant 96 : i32
    %dma_start3A_45 = arith.constant 0 : i32
    %dma_start3A_46 = tpu.memref_slice %arg8[%dma_start3A_44, %dma_start3A_45] : memref<128x128xf32, #tpu.memory_space<vmem>> -> memref<32x128xf32, #tpu.memory_space<vmem>>
    %dma_start3A_47 = arith.constant 96 : i32
    %dma_start3A_48 = tpu.memref_slice %arg6[%dma_start3A_43, %dma_start3A_47] : memref<40x128xi32, #tpu.memory_space<vmem>> -> memref<1x32xi32, #tpu.memory_space<vmem>>
    %dma_start3A_49 = tpu.memref_squeeze %dma_start3A_48 : memref<1x32xi32, #tpu.memory_space<vmem>> -> memref<32xi32, #tpu.memory_space<vmem>>
    %dma_start3A_50 = arith.constant 0 : i32
    %dma_start3A_51 = arith.constant 0 : i32
    %dma_start3A_52 = tpu.memref_slice %arg2[%dma_start3A_50, %dma_start3A_51] : memref<20480x128xf32, #tpu.memory_space<hbm>> -> memref<20480x128xf32, #tpu.memory_space<hbm>>
    tpu.enqueue_indirect_dma source(%dma_start3A_52 : memref<20480x128xf32, #tpu.memory_space<hbm>>) target(%dma_start3A_46 : memref<32x128xf32, #tpu.memory_space<vmem>>) offsets(%dma_start3A_49 : memref<32xi32, #tpu.memory_space<vmem>>) semaphore(%arg11 : memref<!tpu.dma_semaphore, #tpu.memory_space<semaphore_mem>>)
    %dma_start3A_53 = arith.constant 1 : i32
    %dma_start3A_54 = arith.constant 0 : i32
    %dma_start3A_55 = arith.constant 0 : i32
    %dma_start3A_56 = tpu.memref_slice %arg9[%dma_start3A_54, %dma_start3A_55] : memref<128x128xf32, #tpu.memory_space<vmem>> -> memref<32x128xf32, #tpu.memory_space<vmem>>
    %dma_start3A_57 = arith.constant 0 : i32
    %dma_start3A_58 = tpu.memref_slice %arg6[%dma_start3A_53, %dma_start3A_57] : memref<40x128xi32, #tpu.memory_space<vmem>> -> memref<1x32xi32, #tpu.memory_space<vmem>>
    %dma_start3A_59 = tpu.memref_squeeze %dma_start3A_58 : memref<1x32xi32, #tpu.memory_space<vmem>> -> memref<32xi32, #tpu.memory_space<vmem>>
    %dma_start3A_60 = arith.constant 0 : i32
    %dma_start3A_61 = arith.constant 0 : i32
    %dma_start3A_62 = tpu.memref_slice %arg2[%dma_start3A_60, %dma_start3A_61] : memref<20480x128xf32, #tpu.memory_space<hbm>> -> memref<20480x128xf32, #tpu.memory_space<hbm>>
    tpu.enqueue_indirect_dma source(%dma_start3A_62 : memref<20480x128xf32, #tpu.memory_space<hbm>>) target(%dma_start3A_56 : memref<32x128xf32, #tpu.memory_space<vmem>>) offsets(%dma_start3A_59 : memref<32xi32, #tpu.memory_space<vmem>>) semaphore(%arg12 : memref<!tpu.dma_semaphore, #tpu.memory_space<semaphore_mem>>)
    %dma_start3A_63 = arith.constant 1 : i32
    %dma_start3A_64 = arith.constant 32 : i32
    %dma_start3A_65 = arith.constant 0 : i32
    %dma_start3A_66 = tpu.memref_slice %arg9[%dma_start3A_64, %dma_start3A_65] : memref<128x128xf32, #tpu.memory_space<vmem>> -> memref<32x128xf32, #tpu.memory_space<vmem>>
    %dma_start3A_67 = arith.constant 32 : i32
    %dma_start3A_68 = tpu.memref_slice %arg6[%dma_start3A_63, %dma_start3A_67] : memref<40x128xi32, #tpu.memory_space<vmem>> -> memref<1x32xi32, #tpu.memory_space<vmem>>
    %dma_start3A_69 = tpu.memref_squeeze %dma_start3A_68 : memref<1x32xi32, #tpu.memory_space<vmem>> -> memref<32xi32, #tpu.memory_space<vmem>>
    %dma_start3A_70 = arith.constant 0 : i32
    %dma_start3A_71 = arith.constant 0 : i32
    %dma_start3A_72 = tpu.memref_slice %arg2[%dma_start3A_70, %dma_start3A_71] : memref<20480x128xf32, #tpu.memory_space<hbm>> -> memref<20480x128xf32, #tpu.memory_space<hbm>>
    tpu.enqueue_indirect_dma source(%dma_start3A_72 : memref<20480x128xf32, #tpu.memory_space<hbm>>) target(%dma_start3A_66 : memref<32x128xf32, #tpu.memory_space<vmem>>) offsets(%dma_start3A_69 : memref<32xi32, #tpu.memory_space<vmem>>) semaphore(%arg12 : memref<!tpu.dma_semaphore, #tpu.memory_space<semaphore_mem>>)
    %dma_start3A_73 = arith.constant 1 : i32
    %dma_start3A_74 = arith.constant 64 : i32
    %dma_start3A_75 = arith.constant 0 : i32
    %dma_start3A_76 = tpu.memref_slice %arg9[%dma_start3A_74, %dma_start3A_75] : memref<128x128xf32, #tpu.memory_space<vmem>> -> memref<32x128xf32, #tpu.memory_space<vmem>>
    %dma_start3A_77 = arith.constant 64 : i32
    %dma_start3A_78 = tpu.memref_slice %arg6[%dma_start3A_73, %dma_start3A_77] : memref<40x128xi32, #tpu.memory_space<vmem>> -> memref<1x32xi32, #tpu.memory_space<vmem>>
    %dma_start3A_79 = tpu.memref_squeeze %dma_start3A_78 : memref<1x32xi32, #tpu.memory_space<vmem>> -> memref<32xi32, #tpu.memory_space<vmem>>
    %dma_start3A_80 = arith.constant 0 : i32
    %dma_start3A_81 = arith.constant 0 : i32
    %dma_start3A_82 = tpu.memref_slice %arg2[%dma_start3A_80, %dma_start3A_81] : memref<20480x128xf32, #tpu.memory_space<hbm>> -> memref<20480x128xf32, #tpu.memory_space<hbm>>
    tpu.enqueue_indirect_dma source(%dma_start3A_82 : memref<20480x128xf32, #tpu.memory_space<hbm>>) target(%dma_start3A_76 : memref<32x128xf32, #tpu.memory_space<vmem>>) offsets(%dma_start3A_79 : memref<32xi32, #tpu.memory_space<vmem>>) semaphore(%arg12 : memref<!tpu.dma_semaphore, #tpu.memory_space<semaphore_mem>>)
    %dma_start3A_83 = arith.constant 1 : i32
    %dma_start3A_84 = arith.constant 96 : i32
    %dma_start3A_85 = arith.constant 0 : i32
    %dma_start3A_86 = tpu.memref_slice %arg9[%dma_start3A_84, %dma_start3A_85] : memref<128x128xf32, #tpu.memory_space<vmem>> -> memref<32x128xf32, #tpu.memory_space<vmem>>
    %dma_start3A_87 = arith.constant 96 : i32
    %dma_start3A_88 = tpu.memref_slice %arg6[%dma_start3A_83, %dma_start3A_87] : memref<40x128xi32, #tpu.memory_space<vmem>> -> memref<1x32xi32, #tpu.memory_space<vmem>>
    %dma_start3A_89 = tpu.memref_squeeze %dma_start3A_88 : memref<1x32xi32, #tpu.memory_space<vmem>> -> memref<32xi32, #tpu.memory_space<vmem>>
    %dma_start3A_90 = arith.constant 0 : i32
    %dma_start3A_91 = arith.constant 0 : i32
    %dma_start3A_92 = tpu.memref_slice %arg2[%dma_start3A_90, %dma_start3A_91] : memref<20480x128xf32, #tpu.memory_space<hbm>> -> memref<20480x128xf32, #tpu.memory_space<hbm>>
    tpu.enqueue_indirect_dma source(%dma_start3A_92 : memref<20480x128xf32, #tpu.memory_space<hbm>>) target(%dma_start3A_86 : memref<32x128xf32, #tpu.memory_space<vmem>>) offsets(%dma_start3A_89 : memref<32xi32, #tpu.memory_space<vmem>>) semaphore(%arg12 : memref<!tpu.dma_semaphore, #tpu.memory_space<semaphore_mem>>)
    %scan3A = arith.constant 0 : i32
    %scan3A_93 = arith.constant 0 : i32
    %scan3A_94 = arith.constant 20 : i32
    %scan3A_95 = arith.addi %scan3A_93, %scan3A_94 : i32
    %scan3A_96 = arith.constant 1 : i32
    scf.for %scan3A_197 = %scan3A_93 to %scan3A_95 step %scan3A_96  : i32 {
      %mul3A_198 = arith.constant 2 : i32
      %mul3A_199 = arith.muli %mul3A_198, %scan3A_197 : i32
      %add3A_200 = arith.constant 0 : i32
      %add3A_201 = arith.addi %mul3A_199, %add3A_200 : i32
      %dma_wait3A = arith.constant 0 : i32
      %dma_wait3A_202 = arith.constant 0 : i32
      %dma_wait3A_203 = arith.constant 0 : i32
      %dma_wait3A_204 = tpu.memref_slice %arg8[%dma_wait3A_202, %dma_wait3A_203] : memref<128x128xf32, #tpu.memory_space<vmem>> -> memref<32x128xf32, #tpu.memory_space<vmem>>
      %dma_wait3A_205 = arith.constant 0 : i32
      %dma_wait3A_206 = tpu.memref_slice %arg6[%dma_wait3A, %dma_wait3A_205] : memref<40x128xi32, #tpu.memory_space<vmem>> -> memref<1x32xi32, #tpu.memory_space<vmem>>
      %dma_wait3A_207 = tpu.memref_squeeze %dma_wait3A_206 : memref<1x32xi32, #tpu.memory_space<vmem>> -> memref<32xi32, #tpu.memory_space<vmem>>
      %dma_wait3A_208 = arith.constant 0 : i32
      %dma_wait3A_209 = arith.constant 0 : i32
      %dma_wait3A_210 = tpu.memref_slice %arg2[%dma_wait3A_208, %dma_wait3A_209] : memref<20480x128xf32, #tpu.memory_space<hbm>> -> memref<20480x128xf32, #tpu.memory_space<hbm>>
      tpu.wait_indirect_dma semaphore(%arg11 : memref<!tpu.dma_semaphore, #tpu.memory_space<semaphore_mem>>) src(%dma_wait3A_210 : memref<20480x128xf32, #tpu.memory_space<hbm>>) dst(%dma_wait3A_204 : memref<32x128xf32, #tpu.memory_space<vmem>>)
      %dma_wait3A_211 = arith.constant 0 : i32
      %dma_wait3A_212 = arith.constant 32 : i32
      %dma_wait3A_213 = arith.constant 0 : i32
      %dma_wait3A_214 = tpu.memref_slice %arg8[%dma_wait3A_212, %dma_wait3A_213] : memref<128x128xf32, #tpu.memory_space<vmem>> -> memref<32x128xf32, #tpu.memory_space<vmem>>
      %dma_wait3A_215 = arith.constant 0 : i32
      %dma_wait3A_216 = tpu.memref_slice %arg6[%dma_wait3A_211, %dma_wait3A_215] : memref<40x128xi32, #tpu.memory_space<vmem>> -> memref<1x32xi32, #tpu.memory_space<vmem>>
      %dma_wait3A_217 = tpu.memref_squeeze %dma_wait3A_216 : memref<1x32xi32, #tpu.memory_space<vmem>> -> memref<32xi32, #tpu.memory_space<vmem>>
      %dma_wait3A_218 = arith.constant 0 : i32
      %dma_wait3A_219 = arith.constant 0 : i32
      %dma_wait3A_220 = tpu.memref_slice %arg2[%dma_wait3A_218, %dma_wait3A_219] : memref<20480x128xf32, #tpu.memory_space<hbm>> -> memref<20480x128xf32, #tpu.memory_space<hbm>>
      tpu.wait_indirect_dma semaphore(%arg11 : memref<!tpu.dma_semaphore, #tpu.memory_space<semaphore_mem>>) src(%dma_wait3A_220 : memref<20480x128xf32, #tpu.memory_space<hbm>>) dst(%dma_wait3A_214 : memref<32x128xf32, #tpu.memory_space<vmem>>)
      %dma_wait3A_221 = arith.constant 0 : i32
      %dma_wait3A_222 = arith.constant 64 : i32
      %dma_wait3A_223 = arith.constant 0 : i32
      %dma_wait3A_224 = tpu.memref_slice %arg8[%dma_wait3A_222, %dma_wait3A_223] : memref<128x128xf32, #tpu.memory_space<vmem>> -> memref<32x128xf32, #tpu.memory_space<vmem>>
      %dma_wait3A_225 = arith.constant 0 : i32
      %dma_wait3A_226 = tpu.memref_slice %arg6[%dma_wait3A_221, %dma_wait3A_225] : memref<40x128xi32, #tpu.memory_space<vmem>> -> memref<1x32xi32, #tpu.memory_space<vmem>>
      %dma_wait3A_227 = tpu.memref_squeeze %dma_wait3A_226 : memref<1x32xi32, #tpu.memory_space<vmem>> -> memref<32xi32, #tpu.memory_space<vmem>>
      %dma_wait3A_228 = arith.constant 0 : i32
      %dma_wait3A_229 = arith.constant 0 : i32
      %dma_wait3A_230 = tpu.memref_slice %arg2[%dma_wait3A_228, %dma_wait3A_229] : memref<20480x128xf32, #tpu.memory_space<hbm>> -> memref<20480x128xf32, #tpu.memory_space<hbm>>
      tpu.wait_indirect_dma semaphore(%arg11 : memref<!tpu.dma_semaphore, #tpu.memory_space<semaphore_mem>>) src(%dma_wait3A_230 : memref<20480x128xf32, #tpu.memory_space<hbm>>) dst(%dma_wait3A_224 : memref<32x128xf32, #tpu.memory_space<vmem>>)
      %dma_wait3A_231 = arith.constant 0 : i32
      %dma_wait3A_232 = arith.constant 96 : i32
      %dma_wait3A_233 = arith.constant 0 : i32
      %dma_wait3A_234 = tpu.memref_slice %arg8[%dma_wait3A_232, %dma_wait3A_233] : memref<128x128xf32, #tpu.memory_space<vmem>> -> memref<32x128xf32, #tpu.memory_space<vmem>>
      %dma_wait3A_235 = arith.constant 0 : i32
      %dma_wait3A_236 = tpu.memref_slice %arg6[%dma_wait3A_231, %dma_wait3A_235] : memref<40x128xi32, #tpu.memory_space<vmem>> -> memref<1x32xi32, #tpu.memory_space<vmem>>
      %dma_wait3A_237 = tpu.memref_squeeze %dma_wait3A_236 : memref<1x32xi32, #tpu.memory_space<vmem>> -> memref<32xi32, #tpu.memory_space<vmem>>
      %dma_wait3A_238 = arith.constant 0 : i32
      %dma_wait3A_239 = arith.constant 0 : i32
      %dma_wait3A_240 = tpu.memref_slice %arg2[%dma_wait3A_238, %dma_wait3A_239] : memref<20480x128xf32, #tpu.memory_space<hbm>> -> memref<20480x128xf32, #tpu.memory_space<hbm>>
      tpu.wait_indirect_dma semaphore(%arg11 : memref<!tpu.dma_semaphore, #tpu.memory_space<semaphore_mem>>) src(%dma_wait3A_240 : memref<20480x128xf32, #tpu.memory_space<hbm>>) dst(%dma_wait3A_234 : memref<32x128xf32, #tpu.memory_space<vmem>>)
      "tpu.region"() ({
        %run_scoped3A = tpu.sem_alloc : memref<!tpu.dma_semaphore, #tpu.memory_space<semaphore_mem>>
        %dma_start3A_296 = arith.constant 0 : i32
        %dma_start3A_297 = tpu.memref_slice %arg7[%add3A_201, %dma_start3A_296] : memref<40x128xi32, #tpu.memory_space<vmem>> -> memref<1x128xi32, #tpu.memory_space<vmem>>
        %dma_start3A_298 = tpu.memref_squeeze %dma_start3A_297 : memref<1x128xi32, #tpu.memory_space<vmem>> -> memref<128xi32, #tpu.memory_space<vmem>>
        %dma_start3A_299 = arith.constant 0 : i32
        %dma_start3A_300 = arith.constant 0 : i32
        %dma_start3A_301 = tpu.memref_slice %arg10[%dma_start3A_299, %dma_start3A_300] : memref<10240x128xf32, #tpu.memory_space<vmem_shared>> -> memref<10240x128xf32, #tpu.memory_space<vmem_shared>>
        tpu.enqueue_indirect_dma source(%arg8 : memref<128x128xf32, #tpu.memory_space<vmem>>) target(%dma_start3A_301 : memref<10240x128xf32, #tpu.memory_space<vmem_shared>>) offsets(%dma_start3A_298 : memref<128xi32, #tpu.memory_space<vmem>>) semaphore(%run_scoped3A : memref<!tpu.dma_semaphore, #tpu.memory_space<semaphore_mem>>) {add = true}
        %dma_wait3A_302 = arith.constant 0 : i32
        %dma_wait3A_303 = tpu.memref_slice %arg7[%add3A_201, %dma_wait3A_302] : memref<40x128xi32, #tpu.memory_space<vmem>> -> memref<1x128xi32, #tpu.memory_space<vmem>>
        %dma_wait3A_304 = tpu.memref_squeeze %dma_wait3A_303 : memref<1x128xi32, #tpu.memory_space<vmem>> -> memref<128xi32, #tpu.memory_space<vmem>>
        %dma_wait3A_305 = arith.constant 0 : i32
        %dma_wait3A_306 = arith.constant 0 : i32
        %dma_wait3A_307 = tpu.memref_slice %arg10[%dma_wait3A_305, %dma_wait3A_306] : memref<10240x128xf32, #tpu.memory_space<vmem_shared>> -> memref<10240x128xf32, #tpu.memory_space<vmem_shared>>
        tpu.wait_indirect_dma semaphore(%run_scoped3A : memref<!tpu.dma_semaphore, #tpu.memory_space<semaphore_mem>>) src(%arg8 : memref<128x128xf32, #tpu.memory_space<vmem>>) dst(%dma_wait3A_307 : memref<10240x128xf32, #tpu.memory_space<vmem_shared>>)
        tpu.yield
      }) : () -> ()
      %add3A_241 = arith.constant 2 : i32
      %add3A_242 = arith.addi %add3A_201, %add3A_241 : i32
      %lt3A = arith.constant 40 : i32
      %lt3A_243 = arith.cmpi slt, %add3A_242, %lt3A : i32
      %convert_element_type3A = arith.extui %lt3A_243 : i1 to i32
      %cond3A = arith.constant 0 : i32
      %cond3A_244 = arith.cmpi ne, %convert_element_type3A, %cond3A : i32
      scf.if %cond3A_244 {
        %add3A_296 = arith.constant 2 : i32
        %add3A_297 = arith.addi %add3A_201, %add3A_296 : i32
        %dma_start3A_298 = arith.constant 0 : i32
        %dma_start3A_299 = arith.constant 0 : i32
        %dma_start3A_300 = tpu.memref_slice %arg8[%dma_start3A_298, %dma_start3A_299] : memref<128x128xf32, #tpu.memory_space<vmem>> -> memref<32x128xf32, #tpu.memory_space<vmem>>
        %dma_start3A_301 = arith.constant 0 : i32
        %dma_start3A_302 = tpu.memref_slice %arg6[%add3A_297, %dma_start3A_301] : memref<40x128xi32, #tpu.memory_space<vmem>> -> memref<1x32xi32, #tpu.memory_space<vmem>>
        %dma_start3A_303 = tpu.memref_squeeze %dma_start3A_302 : memref<1x32xi32, #tpu.memory_space<vmem>> -> memref<32xi32, #tpu.memory_space<vmem>>
        %dma_start3A_304 = arith.constant 0 : i32
        %dma_start3A_305 = arith.constant 0 : i32
        %dma_start3A_306 = tpu.memref_slice %arg2[%dma_start3A_304, %dma_start3A_305] : memref<20480x128xf32, #tpu.memory_space<hbm>> -> memref<20480x128xf32, #tpu.memory_space<hbm>>
        tpu.enqueue_indirect_dma source(%dma_start3A_306 : memref<20480x128xf32, #tpu.memory_space<hbm>>) target(%dma_start3A_300 : memref<32x128xf32, #tpu.memory_space<vmem>>) offsets(%dma_start3A_303 : memref<32xi32, #tpu.memory_space<vmem>>) semaphore(%arg11 : memref<!tpu.dma_semaphore, #tpu.memory_space<semaphore_mem>>)
        %dma_start3A_307 = arith.constant 32 : i32
        %dma_start3A_308 = arith.constant 0 : i32
        %dma_start3A_309 = tpu.memref_slice %arg8[%dma_start3A_307, %dma_start3A_308] : memref<128x128xf32, #tpu.memory_space<vmem>> -> memref<32x128xf32, #tpu.memory_space<vmem>>
        %dma_start3A_310 = arith.constant 32 : i32
        %dma_start3A_311 = tpu.memref_slice %arg6[%add3A_297, %dma_start3A_310] : memref<40x128xi32, #tpu.memory_space<vmem>> -> memref<1x32xi32, #tpu.memory_space<vmem>>
        %dma_start3A_312 = tpu.memref_squeeze %dma_start3A_311 : memref<1x32xi32, #tpu.memory_space<vmem>> -> memref<32xi32, #tpu.memory_space<vmem>>
        %dma_start3A_313 = arith.constant 0 : i32
        %dma_start3A_314 = arith.constant 0 : i32
        %dma_start3A_315 = tpu.memref_slice %arg2[%dma_start3A_313, %dma_start3A_314] : memref<20480x128xf32, #tpu.memory_space<hbm>> -> memref<20480x128xf32, #tpu.memory_space<hbm>>
        tpu.enqueue_indirect_dma source(%dma_start3A_315 : memref<20480x128xf32, #tpu.memory_space<hbm>>) target(%dma_start3A_309 : memref<32x128xf32, #tpu.memory_space<vmem>>) offsets(%dma_start3A_312 : memref<32xi32, #tpu.memory_space<vmem>>) semaphore(%arg11 : memref<!tpu.dma_semaphore, #tpu.memory_space<semaphore_mem>>)
        %dma_start3A_316 = arith.constant 64 : i32
        %dma_start3A_317 = arith.constant 0 : i32
        %dma_start3A_318 = tpu.memref_slice %arg8[%dma_start3A_316, %dma_start3A_317] : memref<128x128xf32, #tpu.memory_space<vmem>> -> memref<32x128xf32, #tpu.memory_space<vmem>>
        %dma_start3A_319 = arith.constant 64 : i32
        %dma_start3A_320 = tpu.memref_slice %arg6[%add3A_297, %dma_start3A_319] : memref<40x128xi32, #tpu.memory_space<vmem>> -> memref<1x32xi32, #tpu.memory_space<vmem>>
        %dma_start3A_321 = tpu.memref_squeeze %dma_start3A_320 : memref<1x32xi32, #tpu.memory_space<vmem>> -> memref<32xi32, #tpu.memory_space<vmem>>
        %dma_start3A_322 = arith.constant 0 : i32
        %dma_start3A_323 = arith.constant 0 : i32
        %dma_start3A_324 = tpu.memref_slice %arg2[%dma_start3A_322, %dma_start3A_323] : memref<20480x128xf32, #tpu.memory_space<hbm>> -> memref<20480x128xf32, #tpu.memory_space<hbm>>
        tpu.enqueue_indirect_dma source(%dma_start3A_324 : memref<20480x128xf32, #tpu.memory_space<hbm>>) target(%dma_start3A_318 : memref<32x128xf32, #tpu.memory_space<vmem>>) offsets(%dma_start3A_321 : memref<32xi32, #tpu.memory_space<vmem>>) semaphore(%arg11 : memref<!tpu.dma_semaphore, #tpu.memory_space<semaphore_mem>>)
        %dma_start3A_325 = arith.constant 96 : i32
        %dma_start3A_326 = arith.constant 0 : i32
        %dma_start3A_327 = tpu.memref_slice %arg8[%dma_start3A_325, %dma_start3A_326] : memref<128x128xf32, #tpu.memory_space<vmem>> -> memref<32x128xf32, #tpu.memory_space<vmem>>
        %dma_start3A_328 = arith.constant 96 : i32
        %dma_start3A_329 = tpu.memref_slice %arg6[%add3A_297, %dma_start3A_328] : memref<40x128xi32, #tpu.memory_space<vmem>> -> memref<1x32xi32, #tpu.memory_space<vmem>>
        %dma_start3A_330 = tpu.memref_squeeze %dma_start3A_329 : memref<1x32xi32, #tpu.memory_space<vmem>> -> memref<32xi32, #tpu.memory_space<vmem>>
        %dma_start3A_331 = arith.constant 0 : i32
        %dma_start3A_332 = arith.constant 0 : i32
        %dma_start3A_333 = tpu.memref_slice %arg2[%dma_start3A_331, %dma_start3A_332] : memref<20480x128xf32, #tpu.memory_space<hbm>> -> memref<20480x128xf32, #tpu.memory_space<hbm>>
        tpu.enqueue_indirect_dma source(%dma_start3A_333 : memref<20480x128xf32, #tpu.memory_space<hbm>>) target(%dma_start3A_327 : memref<32x128xf32, #tpu.memory_space<vmem>>) offsets(%dma_start3A_330 : memref<32xi32, #tpu.memory_space<vmem>>) semaphore(%arg11 : memref<!tpu.dma_semaphore, #tpu.memory_space<semaphore_mem>>)
      } else {
      }
      %mul3A_245 = arith.constant 2 : i32
      %mul3A_246 = arith.muli %mul3A_245, %scan3A_197 : i32
      %add3A_247 = arith.constant 1 : i32
      %add3A_248 = arith.addi %mul3A_246, %add3A_247 : i32
      %dma_wait3A_249 = arith.constant 0 : i32
      %dma_wait3A_250 = arith.constant 0 : i32
      %dma_wait3A_251 = arith.constant 0 : i32
      %dma_wait3A_252 = tpu.memref_slice %arg9[%dma_wait3A_250, %dma_wait3A_251] : memref<128x128xf32, #tpu.memory_space<vmem>> -> memref<32x128xf32, #tpu.memory_space<vmem>>
      %dma_wait3A_253 = arith.constant 0 : i32
      %dma_wait3A_254 = tpu.memref_slice %arg6[%dma_wait3A_249, %dma_wait3A_253] : memref<40x128xi32, #tpu.memory_space<vmem>> -> memref<1x32xi32, #tpu.memory_space<vmem>>
      %dma_wait3A_255 = tpu.memref_squeeze %dma_wait3A_254 : memref<1x32xi32, #tpu.memory_space<vmem>> -> memref<32xi32, #tpu.memory_space<vmem>>
      %dma_wait3A_256 = arith.constant 0 : i32
      %dma_wait3A_257 = arith.constant 0 : i32
      %dma_wait3A_258 = tpu.memref_slice %arg2[%dma_wait3A_256, %dma_wait3A_257] : memref<20480x128xf32, #tpu.memory_space<hbm>> -> memref<20480x128xf32, #tpu.memory_space<hbm>>
      tpu.wait_indirect_dma semaphore(%arg12 : memref<!tpu.dma_semaphore, #tpu.memory_space<semaphore_mem>>) src(%dma_wait3A_258 : memref<20480x128xf32, #tpu.memory_space<hbm>>) dst(%dma_wait3A_252 : memref<32x128xf32, #tpu.memory_space<vmem>>)
      %dma_wait3A_259 = arith.constant 0 : i32
      %dma_wait3A_260 = arith.constant 32 : i32
      %dma_wait3A_261 = arith.constant 0 : i32
      %dma_wait3A_262 = tpu.memref_slice %arg9[%dma_wait3A_260, %dma_wait3A_261] : memref<128x128xf32, #tpu.memory_space<vmem>> -> memref<32x128xf32, #tpu.memory_space<vmem>>
      %dma_wait3A_263 = arith.constant 0 : i32
      %dma_wait3A_264 = tpu.memref_slice %arg6[%dma_wait3A_259, %dma_wait3A_263] : memref<40x128xi32, #tpu.memory_space<vmem>> -> memref<1x32xi32, #tpu.memory_space<vmem>>
      %dma_wait3A_265 = tpu.memref_squeeze %dma_wait3A_264 : memref<1x32xi32, #tpu.memory_space<vmem>> -> memref<32xi32, #tpu.memory_space<vmem>>
      %dma_wait3A_266 = arith.constant 0 : i32
      %dma_wait3A_267 = arith.constant 0 : i32
      %dma_wait3A_268 = tpu.memref_slice %arg2[%dma_wait3A_266, %dma_wait3A_267] : memref<20480x128xf32, #tpu.memory_space<hbm>> -> memref<20480x128xf32, #tpu.memory_space<hbm>>
      tpu.wait_indirect_dma semaphore(%arg12 : memref<!tpu.dma_semaphore, #tpu.memory_space<semaphore_mem>>) src(%dma_wait3A_268 : memref<20480x128xf32, #tpu.memory_space<hbm>>) dst(%dma_wait3A_262 : memref<32x128xf32, #tpu.memory_space<vmem>>)
      %dma_wait3A_269 = arith.constant 0 : i32
      %dma_wait3A_270 = arith.constant 64 : i32
      %dma_wait3A_271 = arith.constant 0 : i32
      %dma_wait3A_272 = tpu.memref_slice %arg9[%dma_wait3A_270, %dma_wait3A_271] : memref<128x128xf32, #tpu.memory_space<vmem>> -> memref<32x128xf32, #tpu.memory_space<vmem>>
      %dma_wait3A_273 = arith.constant 0 : i32
      %dma_wait3A_274 = tpu.memref_slice %arg6[%dma_wait3A_269, %dma_wait3A_273] : memref<40x128xi32, #tpu.memory_space<vmem>> -> memref<1x32xi32, #tpu.memory_space<vmem>>
      %dma_wait3A_275 = tpu.memref_squeeze %dma_wait3A_274 : memref<1x32xi32, #tpu.memory_space<vmem>> -> memref<32xi32, #tpu.memory_space<vmem>>
      %dma_wait3A_276 = arith.constant 0 : i32
      %dma_wait3A_277 = arith.constant 0 : i32
      %dma_wait3A_278 = tpu.memref_slice %arg2[%dma_wait3A_276, %dma_wait3A_277] : memref<20480x128xf32, #tpu.memory_space<hbm>> -> memref<20480x128xf32, #tpu.memory_space<hbm>>
      tpu.wait_indirect_dma semaphore(%arg12 : memref<!tpu.dma_semaphore, #tpu.memory_space<semaphore_mem>>) src(%dma_wait3A_278 : memref<20480x128xf32, #tpu.memory_space<hbm>>) dst(%dma_wait3A_272 : memref<32x128xf32, #tpu.memory_space<vmem>>)
      %dma_wait3A_279 = arith.constant 0 : i32
      %dma_wait3A_280 = arith.constant 96 : i32
      %dma_wait3A_281 = arith.constant 0 : i32
      %dma_wait3A_282 = tpu.memref_slice %arg9[%dma_wait3A_280, %dma_wait3A_281] : memref<128x128xf32, #tpu.memory_space<vmem>> -> memref<32x128xf32, #tpu.memory_space<vmem>>
      %dma_wait3A_283 = arith.constant 0 : i32
      %dma_wait3A_284 = tpu.memref_slice %arg6[%dma_wait3A_279, %dma_wait3A_283] : memref<40x128xi32, #tpu.memory_space<vmem>> -> memref<1x32xi32, #tpu.memory_space<vmem>>
      %dma_wait3A_285 = tpu.memref_squeeze %dma_wait3A_284 : memref<1x32xi32, #tpu.memory_space<vmem>> -> memref<32xi32, #tpu.memory_space<vmem>>
      %dma_wait3A_286 = arith.constant 0 : i32
      %dma_wait3A_287 = arith.constant 0 : i32
      %dma_wait3A_288 = tpu.memref_slice %arg2[%dma_wait3A_286, %dma_wait3A_287] : memref<20480x128xf32, #tpu.memory_space<hbm>> -> memref<20480x128xf32, #tpu.memory_space<hbm>>
      tpu.wait_indirect_dma semaphore(%arg12 : memref<!tpu.dma_semaphore, #tpu.memory_space<semaphore_mem>>) src(%dma_wait3A_288 : memref<20480x128xf32, #tpu.memory_space<hbm>>) dst(%dma_wait3A_282 : memref<32x128xf32, #tpu.memory_space<vmem>>)
      "tpu.region"() ({
        %run_scoped3A = tpu.sem_alloc : memref<!tpu.dma_semaphore, #tpu.memory_space<semaphore_mem>>
        %dma_start3A_296 = arith.constant 0 : i32
        %dma_start3A_297 = tpu.memref_slice %arg7[%add3A_248, %dma_start3A_296] : memref<40x128xi32, #tpu.memory_space<vmem>> -> memref<1x128xi32, #tpu.memory_space<vmem>>
        %dma_start3A_298 = tpu.memref_squeeze %dma_start3A_297 : memref<1x128xi32, #tpu.memory_space<vmem>> -> memref<128xi32, #tpu.memory_space<vmem>>
        %dma_start3A_299 = arith.constant 0 : i32
        %dma_start3A_300 = arith.constant 0 : i32
        %dma_start3A_301 = tpu.memref_slice %arg10[%dma_start3A_299, %dma_start3A_300] : memref<10240x128xf32, #tpu.memory_space<vmem_shared>> -> memref<10240x128xf32, #tpu.memory_space<vmem_shared>>
        tpu.enqueue_indirect_dma source(%arg9 : memref<128x128xf32, #tpu.memory_space<vmem>>) target(%dma_start3A_301 : memref<10240x128xf32, #tpu.memory_space<vmem_shared>>) offsets(%dma_start3A_298 : memref<128xi32, #tpu.memory_space<vmem>>) semaphore(%run_scoped3A : memref<!tpu.dma_semaphore, #tpu.memory_space<semaphore_mem>>) {add = true}
        %dma_wait3A_302 = arith.constant 0 : i32
        %dma_wait3A_303 = tpu.memref_slice %arg7[%add3A_248, %dma_wait3A_302] : memref<40x128xi32, #tpu.memory_space<vmem>> -> memref<1x128xi32, #tpu.memory_space<vmem>>
        %dma_wait3A_304 = tpu.memref_squeeze %dma_wait3A_303 : memref<1x128xi32, #tpu.memory_space<vmem>> -> memref<128xi32, #tpu.memory_space<vmem>>
        %dma_wait3A_305 = arith.constant 0 : i32
        %dma_wait3A_306 = arith.constant 0 : i32
        %dma_wait3A_307 = tpu.memref_slice %arg10[%dma_wait3A_305, %dma_wait3A_306] : memref<10240x128xf32, #tpu.memory_space<vmem_shared>> -> memref<10240x128xf32, #tpu.memory_space<vmem_shared>>
        tpu.wait_indirect_dma semaphore(%run_scoped3A : memref<!tpu.dma_semaphore, #tpu.memory_space<semaphore_mem>>) src(%arg9 : memref<128x128xf32, #tpu.memory_space<vmem>>) dst(%dma_wait3A_307 : memref<10240x128xf32, #tpu.memory_space<vmem_shared>>)
        tpu.yield
      }) : () -> ()
      %add3A_289 = arith.constant 2 : i32
      %add3A_290 = arith.addi %add3A_248, %add3A_289 : i32
      %lt3A_291 = arith.constant 40 : i32
      %lt3A_292 = arith.cmpi slt, %add3A_290, %lt3A_291 : i32
      %convert_element_type3A_293 = arith.extui %lt3A_292 : i1 to i32
      %cond3A_294 = arith.constant 0 : i32
      %cond3A_295 = arith.cmpi ne, %convert_element_type3A_293, %cond3A_294 : i32
      scf.if %cond3A_295 {
        %add3A_296 = arith.constant 2 : i32
        %add3A_297 = arith.addi %add3A_248, %add3A_296 : i32
        %dma_start3A_298 = arith.constant 0 : i32
        %dma_start3A_299 = arith.constant 0 : i32
        %dma_start3A_300 = tpu.memref_slice %arg9[%dma_start3A_298, %dma_start3A_299] : memref<128x128xf32, #tpu.memory_space<vmem>> -> memref<32x128xf32, #tpu.memory_space<vmem>>
        %dma_start3A_301 = arith.constant 0 : i32
        %dma_start3A_302 = tpu.memref_slice %arg6[%add3A_297, %dma_start3A_301] : memref<40x128xi32, #tpu.memory_space<vmem>> -> memref<1x32xi32, #tpu.memory_space<vmem>>
        %dma_start3A_303 = tpu.memref_squeeze %dma_start3A_302 : memref<1x32xi32, #tpu.memory_space<vmem>> -> memref<32xi32, #tpu.memory_space<vmem>>
        %dma_start3A_304 = arith.constant 0 : i32
        %dma_start3A_305 = arith.constant 0 : i32
        %dma_start3A_306 = tpu.memref_slice %arg2[%dma_start3A_304, %dma_start3A_305] : memref<20480x128xf32, #tpu.memory_space<hbm>> -> memref<20480x128xf32, #tpu.memory_space<hbm>>
        tpu.enqueue_indirect_dma source(%dma_start3A_306 : memref<20480x128xf32, #tpu.memory_space<hbm>>) target(%dma_start3A_300 : memref<32x128xf32, #tpu.memory_space<vmem>>) offsets(%dma_start3A_303 : memref<32xi32, #tpu.memory_space<vmem>>) semaphore(%arg12 : memref<!tpu.dma_semaphore, #tpu.memory_space<semaphore_mem>>)
        %dma_start3A_307 = arith.constant 32 : i32
        %dma_start3A_308 = arith.constant 0 : i32
        %dma_start3A_309 = tpu.memref_slice %arg9[%dma_start3A_307, %dma_start3A_308] : memref<128x128xf32, #tpu.memory_space<vmem>> -> memref<32x128xf32, #tpu.memory_space<vmem>>
        %dma_start3A_310 = arith.constant 32 : i32
        %dma_start3A_311 = tpu.memref_slice %arg6[%add3A_297, %dma_start3A_310] : memref<40x128xi32, #tpu.memory_space<vmem>> -> memref<1x32xi32, #tpu.memory_space<vmem>>
        %dma_start3A_312 = tpu.memref_squeeze %dma_start3A_311 : memref<1x32xi32, #tpu.memory_space<vmem>> -> memref<32xi32, #tpu.memory_space<vmem>>
        %dma_start3A_313 = arith.constant 0 : i32
        %dma_start3A_314 = arith.constant 0 : i32
        %dma_start3A_315 = tpu.memref_slice %arg2[%dma_start3A_313, %dma_start3A_314] : memref<20480x128xf32, #tpu.memory_space<hbm>> -> memref<20480x128xf32, #tpu.memory_space<hbm>>
        tpu.enqueue_indirect_dma source(%dma_start3A_315 : memref<20480x128xf32, #tpu.memory_space<hbm>>) target(%dma_start3A_309 : memref<32x128xf32, #tpu.memory_space<vmem>>) offsets(%dma_start3A_312 : memref<32xi32, #tpu.memory_space<vmem>>) semaphore(%arg12 : memref<!tpu.dma_semaphore, #tpu.memory_space<semaphore_mem>>)
        %dma_start3A_316 = arith.constant 64 : i32
        %dma_start3A_317 = arith.constant 0 : i32
        %dma_start3A_318 = tpu.memref_slice %arg9[%dma_start3A_316, %dma_start3A_317] : memref<128x128xf32, #tpu.memory_space<vmem>> -> memref<32x128xf32, #tpu.memory_space<vmem>>
        %dma_start3A_319 = arith.constant 64 : i32
        %dma_start3A_320 = tpu.memref_slice %arg6[%add3A_297, %dma_start3A_319] : memref<40x128xi32, #tpu.memory_space<vmem>> -> memref<1x32xi32, #tpu.memory_space<vmem>>
        %dma_start3A_321 = tpu.memref_squeeze %dma_start3A_320 : memref<1x32xi32, #tpu.memory_space<vmem>> -> memref<32xi32, #tpu.memory_space<vmem>>
        %dma_start3A_322 = arith.constant 0 : i32
        %dma_start3A_323 = arith.constant 0 : i32
        %dma_start3A_324 = tpu.memref_slice %arg2[%dma_start3A_322, %dma_start3A_323] : memref<20480x128xf32, #tpu.memory_space<hbm>> -> memref<20480x128xf32, #tpu.memory_space<hbm>>
        tpu.enqueue_indirect_dma source(%dma_start3A_324 : memref<20480x128xf32, #tpu.memory_space<hbm>>) target(%dma_start3A_318 : memref<32x128xf32, #tpu.memory_space<vmem>>) offsets(%dma_start3A_321 : memref<32xi32, #tpu.memory_space<vmem>>) semaphore(%arg12 : memref<!tpu.dma_semaphore, #tpu.memory_space<semaphore_mem>>)
        %dma_start3A_325 = arith.constant 96 : i32
        %dma_start3A_326 = arith.constant 0 : i32
        %dma_start3A_327 = tpu.memref_slice %arg9[%dma_start3A_325, %dma_start3A_326] : memref<128x128xf32, #tpu.memory_space<vmem>> -> memref<32x128xf32, #tpu.memory_space<vmem>>
        %dma_start3A_328 = arith.constant 96 : i32
        %dma_start3A_329 = tpu.memref_slice %arg6[%add3A_297, %dma_start3A_328] : memref<40x128xi32, #tpu.memory_space<vmem>> -> memref<1x32xi32, #tpu.memory_space<vmem>>
        %dma_start3A_330 = tpu.memref_squeeze %dma_start3A_329 : memref<1x32xi32, #tpu.memory_space<vmem>> -> memref<32xi32, #tpu.memory_space<vmem>>
        %dma_start3A_331 = arith.constant 0 : i32
        %dma_start3A_332 = arith.constant 0 : i32
        %dma_start3A_333 = tpu.memref_slice %arg2[%dma_start3A_331, %dma_start3A_332] : memref<20480x128xf32, #tpu.memory_space<hbm>> -> memref<20480x128xf32, #tpu.memory_space<hbm>>
        tpu.enqueue_indirect_dma source(%dma_start3A_333 : memref<20480x128xf32, #tpu.memory_space<hbm>>) target(%dma_start3A_327 : memref<32x128xf32, #tpu.memory_space<vmem>>) offsets(%dma_start3A_330 : memref<32xi32, #tpu.memory_space<vmem>>) semaphore(%arg12 : memref<!tpu.dma_semaphore, #tpu.memory_space<semaphore_mem>>)
      } else {
      }
    }
    %scan3A_97 = arith.constant 20 : i32
    %mul3A_98 = arith.constant 1280 : i32
    %mul3A_99 = arith.muli %arg0, %mul3A_98 : i32
    %mul3A_100 = arith.constant 80 : i32
    %mul3A_101 = arith.muli %arg1, %mul3A_100 : i32
    %add3A_102 = arith.addi %mul3A_99, %mul3A_101 : i32
    %add3A_103 = arith.constant 40 : i32
    %add3A_104 = arith.addi %add3A_102, %add3A_103 : i32
    "tpu.region"() ({
      %run_scoped3A = tpu.sem_alloc : memref<!tpu.dma_semaphore, #tpu.memory_space<semaphore_mem>>
      %dma_start3A_197 = arith.constant 0 : i32
      %dma_start3A_198 = tpu.memref_slice %arg3[%add3A_104, %dma_start3A_197] : memref<2560x128xi32, #tpu.memory_space<hbm>> -> memref<40x128xi32, #tpu.memory_space<hbm>>
      %dma_start3A_199 = arith.constant 0 : i32
      %dma_start3A_200 = tpu.memref_slice %arg3[%add3A_104, %dma_start3A_199] : memref<2560x128xi32, #tpu.memory_space<hbm>> -> memref<40x128xi32, #tpu.memory_space<hbm>>
      tpu.enqueue_dma source(%dma_start3A_200 : memref<40x128xi32, #tpu.memory_space<hbm>>) target(%arg6 : memref<40x128xi32, #tpu.memory_space<vmem>>) target_semaphore(%run_scoped3A : memref<!tpu.dma_semaphore, #tpu.memory_space<semaphore_mem>>)
      %dma_wait3A = arith.constant 0 : i32
      %dma_wait3A_201 = tpu.memref_slice %arg3[%add3A_104, %dma_wait3A] : memref<2560x128xi32, #tpu.memory_space<hbm>> -> memref<40x128xi32, #tpu.memory_space<hbm>>
      %dma_wait3A_202 = arith.constant 0 : i32
      %dma_wait3A_203 = tpu.memref_slice %arg3[%add3A_104, %dma_wait3A_202] : memref<2560x128xi32, #tpu.memory_space<hbm>> -> memref<40x128xi32, #tpu.memory_space<hbm>>
      tpu.wait_dma2 semaphore(%run_scoped3A : memref<!tpu.dma_semaphore, #tpu.memory_space<semaphore_mem>>) src(%dma_wait3A_203 : memref<40x128xi32, #tpu.memory_space<hbm>>) dst(%arg6 : memref<40x128xi32, #tpu.memory_space<vmem>>)
      tpu.yield
    }) : () -> ()
    %mul3A_105 = arith.constant 80 : i32
    %mul3A_106 = arith.muli %arg1, %mul3A_105 : i32
    %add3A_107 = arith.constant 40 : i32
    %add3A_108 = arith.addi %mul3A_106, %add3A_107 : i32
    "tpu.region"() ({
      %run_scoped3A = tpu.sem_alloc : memref<!tpu.dma_semaphore, #tpu.memory_space<semaphore_mem>>
      %dma_start3A_197 = arith.constant 0 : i32
      %dma_start3A_198 = tpu.memref_slice %arg4[%add3A_108, %dma_start3A_197] : memref<1280x128xi32, #tpu.memory_space<hbm>> -> memref<40x128xi32, #tpu.memory_space<hbm>>
      %dma_start3A_199 = arith.constant 0 : i32
      %dma_start3A_200 = tpu.memref_slice %arg4[%add3A_108, %dma_start3A_199] : memref<1280x128xi32, #tpu.memory_space<hbm>> -> memref<40x128xi32, #tpu.memory_space<hbm>>
      tpu.enqueue_dma source(%dma_start3A_200 : memref<40x128xi32, #tpu.memory_space<hbm>>) target(%arg7 : memref<40x128xi32, #tpu.memory_space<vmem>>) target_semaphore(%run_scoped3A : memref<!tpu.dma_semaphore, #tpu.memory_space<semaphore_mem>>)
      %dma_wait3A = arith.constant 0 : i32
      %dma_wait3A_201 = tpu.memref_slice %arg4[%add3A_108, %dma_wait3A] : memref<1280x128xi32, #tpu.memory_space<hbm>> -> memref<40x128xi32, #tpu.memory_space<hbm>>
      %dma_wait3A_202 = arith.constant 0 : i32
      %dma_wait3A_203 = tpu.memref_slice %arg4[%add3A_108, %dma_wait3A_202] : memref<1280x128xi32, #tpu.memory_space<hbm>> -> memref<40x128xi32, #tpu.memory_space<hbm>>
      tpu.wait_dma2 semaphore(%run_scoped3A : memref<!tpu.dma_semaphore, #tpu.memory_space<semaphore_mem>>) src(%dma_wait3A_203 : memref<40x128xi32, #tpu.memory_space<hbm>>) dst(%arg7 : memref<40x128xi32, #tpu.memory_space<vmem>>)
      tpu.yield
    }) : () -> ()
    %dma_start3A_109 = arith.constant 0 : i32
    %dma_start3A_110 = arith.constant 0 : i32
    %dma_start3A_111 = arith.constant 0 : i32
    %dma_start3A_112 = tpu.memref_slice %arg8[%dma_start3A_110, %dma_start3A_111] : memref<128x128xf32, #tpu.memory_space<vmem>> -> memref<32x128xf32, #tpu.memory_space<vmem>>
    %dma_start3A_113 = arith.constant 0 : i32
    %dma_start3A_114 = tpu.memref_slice %arg6[%dma_start3A_109, %dma_start3A_113] : memref<40x128xi32, #tpu.memory_space<vmem>> -> memref<1x32xi32, #tpu.memory_space<vmem>>
    %dma_start3A_115 = tpu.memref_squeeze %dma_start3A_114 : memref<1x32xi32, #tpu.memory_space<vmem>> -> memref<32xi32, #tpu.memory_space<vmem>>
    %dma_start3A_116 = arith.constant 0 : i32
    %dma_start3A_117 = arith.constant 0 : i32
    %dma_start3A_118 = tpu.memref_slice %arg2[%dma_start3A_116, %dma_start3A_117] : memref<20480x128xf32, #tpu.memory_space<hbm>> -> memref<20480x128xf32, #tpu.memory_space<hbm>>
    tpu.enqueue_indirect_dma source(%dma_start3A_118 : memref<20480x128xf32, #tpu.memory_space<hbm>>) target(%dma_start3A_112 : memref<32x128xf32, #tpu.memory_space<vmem>>) offsets(%dma_start3A_115 : memref<32xi32, #tpu.memory_space<vmem>>) semaphore(%arg11 : memref<!tpu.dma_semaphore, #tpu.memory_space<semaphore_mem>>)
    %dma_start3A_119 = arith.constant 0 : i32
    %dma_start3A_120 = arith.constant 32 : i32
    %dma_start3A_121 = arith.constant 0 : i32
    %dma_start3A_122 = tpu.memref_slice %arg8[%dma_start3A_120, %dma_start3A_121] : memref<128x128xf32, #tpu.memory_space<vmem>> -> memref<32x128xf32, #tpu.memory_space<vmem>>
    %dma_start3A_123 = arith.constant 32 : i32
    %dma_start3A_124 = tpu.memref_slice %arg6[%dma_start3A_119, %dma_start3A_123] : memref<40x128xi32, #tpu.memory_space<vmem>> -> memref<1x32xi32, #tpu.memory_space<vmem>>
    %dma_start3A_125 = tpu.memref_squeeze %dma_start3A_124 : memref<1x32xi32, #tpu.memory_space<vmem>> -> memref<32xi32, #tpu.memory_space<vmem>>
    %dma_start3A_126 = arith.constant 0 : i32
    %dma_start3A_127 = arith.constant 0 : i32
    %dma_start3A_128 = tpu.memref_slice %arg2[%dma_start3A_126, %dma_start3A_127] : memref<20480x128xf32, #tpu.memory_space<hbm>> -> memref<20480x128xf32, #tpu.memory_space<hbm>>
    tpu.enqueue_indirect_dma source(%dma_start3A_128 : memref<20480x128xf32, #tpu.memory_space<hbm>>) target(%dma_start3A_122 : memref<32x128xf32, #tpu.memory_space<vmem>>) offsets(%dma_start3A_125 : memref<32xi32, #tpu.memory_space<vmem>>) semaphore(%arg11 : memref<!tpu.dma_semaphore, #tpu.memory_space<semaphore_mem>>)
    %dma_start3A_129 = arith.constant 0 : i32
    %dma_start3A_130 = arith.constant 64 : i32
    %dma_start3A_131 = arith.constant 0 : i32
    %dma_start3A_132 = tpu.memref_slice %arg8[%dma_start3A_130, %dma_start3A_131] : memref<128x128xf32, #tpu.memory_space<vmem>> -> memref<32x128xf32, #tpu.memory_space<vmem>>
    %dma_start3A_133 = arith.constant 64 : i32
    %dma_start3A_134 = tpu.memref_slice %arg6[%dma_start3A_129, %dma_start3A_133] : memref<40x128xi32, #tpu.memory_space<vmem>> -> memref<1x32xi32, #tpu.memory_space<vmem>>
    %dma_start3A_135 = tpu.memref_squeeze %dma_start3A_134 : memref<1x32xi32, #tpu.memory_space<vmem>> -> memref<32xi32, #tpu.memory_space<vmem>>
    %dma_start3A_136 = arith.constant 0 : i32
    %dma_start3A_137 = arith.constant 0 : i32
    %dma_start3A_138 = tpu.memref_slice %arg2[%dma_start3A_136, %dma_start3A_137] : memref<20480x128xf32, #tpu.memory_space<hbm>> -> memref<20480x128xf32, #tpu.memory_space<hbm>>
    tpu.enqueue_indirect_dma source(%dma_start3A_138 : memref<20480x128xf32, #tpu.memory_space<hbm>>) target(%dma_start3A_132 : memref<32x128xf32, #tpu.memory_space<vmem>>) offsets(%dma_start3A_135 : memref<32xi32, #tpu.memory_space<vmem>>) semaphore(%arg11 : memref<!tpu.dma_semaphore, #tpu.memory_space<semaphore_mem>>)
    %dma_start3A_139 = arith.constant 0 : i32
    %dma_start3A_140 = arith.constant 96 : i32
    %dma_start3A_141 = arith.constant 0 : i32
    %dma_start3A_142 = tpu.memref_slice %arg8[%dma_start3A_140, %dma_start3A_141] : memref<128x128xf32, #tpu.memory_space<vmem>> -> memref<32x128xf32, #tpu.memory_space<vmem>>
    %dma_start3A_143 = arith.constant 96 : i32
    %dma_start3A_144 = tpu.memref_slice %arg6[%dma_start3A_139, %dma_start3A_143] : memref<40x128xi32, #tpu.memory_space<vmem>> -> memref<1x32xi32, #tpu.memory_space<vmem>>
    %dma_start3A_145 = tpu.memref_squeeze %dma_start3A_144 : memref<1x32xi32, #tpu.memory_space<vmem>> -> memref<32xi32, #tpu.memory_space<vmem>>
    %dma_start3A_146 = arith.constant 0 : i32
    %dma_start3A_147 = arith.constant 0 : i32
    %dma_start3A_148 = tpu.memref_slice %arg2[%dma_start3A_146, %dma_start3A_147] : memref<20480x128xf32, #tpu.memory_space<hbm>> -> memref<20480x128xf32, #tpu.memory_space<hbm>>
    tpu.enqueue_indirect_dma source(%dma_start3A_148 : memref<20480x128xf32, #tpu.memory_space<hbm>>) target(%dma_start3A_142 : memref<32x128xf32, #tpu.memory_space<vmem>>) offsets(%dma_start3A_145 : memref<32xi32, #tpu.memory_space<vmem>>) semaphore(%arg11 : memref<!tpu.dma_semaphore, #tpu.memory_space<semaphore_mem>>)
    %dma_start3A_149 = arith.constant 1 : i32
    %dma_start3A_150 = arith.constant 0 : i32
    %dma_start3A_151 = arith.constant 0 : i32
    %dma_start3A_152 = tpu.memref_slice %arg9[%dma_start3A_150, %dma_start3A_151] : memref<128x128xf32, #tpu.memory_space<vmem>> -> memref<32x128xf32, #tpu.memory_space<vmem>>
    %dma_start3A_153 = arith.constant 0 : i32
    %dma_start3A_154 = tpu.memref_slice %arg6[%dma_start3A_149, %dma_start3A_153] : memref<40x128xi32, #tpu.memory_space<vmem>> -> memref<1x32xi32, #tpu.memory_space<vmem>>
    %dma_start3A_155 = tpu.memref_squeeze %dma_start3A_154 : memref<1x32xi32, #tpu.memory_space<vmem>> -> memref<32xi32, #tpu.memory_space<vmem>>
    %dma_start3A_156 = arith.constant 0 : i32
    %dma_start3A_157 = arith.constant 0 : i32
    %dma_start3A_158 = tpu.memref_slice %arg2[%dma_start3A_156, %dma_start3A_157] : memref<20480x128xf32, #tpu.memory_space<hbm>> -> memref<20480x128xf32, #tpu.memory_space<hbm>>
    tpu.enqueue_indirect_dma source(%dma_start3A_158 : memref<20480x128xf32, #tpu.memory_space<hbm>>) target(%dma_start3A_152 : memref<32x128xf32, #tpu.memory_space<vmem>>) offsets(%dma_start3A_155 : memref<32xi32, #tpu.memory_space<vmem>>) semaphore(%arg12 : memref<!tpu.dma_semaphore, #tpu.memory_space<semaphore_mem>>)
    %dma_start3A_159 = arith.constant 1 : i32
    %dma_start3A_160 = arith.constant 32 : i32
    %dma_start3A_161 = arith.constant 0 : i32
    %dma_start3A_162 = tpu.memref_slice %arg9[%dma_start3A_160, %dma_start3A_161] : memref<128x128xf32, #tpu.memory_space<vmem>> -> memref<32x128xf32, #tpu.memory_space<vmem>>
    %dma_start3A_163 = arith.constant 32 : i32
    %dma_start3A_164 = tpu.memref_slice %arg6[%dma_start3A_159, %dma_start3A_163] : memref<40x128xi32, #tpu.memory_space<vmem>> -> memref<1x32xi32, #tpu.memory_space<vmem>>
    %dma_start3A_165 = tpu.memref_squeeze %dma_start3A_164 : memref<1x32xi32, #tpu.memory_space<vmem>> -> memref<32xi32, #tpu.memory_space<vmem>>
    %dma_start3A_166 = arith.constant 0 : i32
    %dma_start3A_167 = arith.constant 0 : i32
    %dma_start3A_168 = tpu.memref_slice %arg2[%dma_start3A_166, %dma_start3A_167] : memref<20480x128xf32, #tpu.memory_space<hbm>> -> memref<20480x128xf32, #tpu.memory_space<hbm>>
    tpu.enqueue_indirect_dma source(%dma_start3A_168 : memref<20480x128xf32, #tpu.memory_space<hbm>>) target(%dma_start3A_162 : memref<32x128xf32, #tpu.memory_space<vmem>>) offsets(%dma_start3A_165 : memref<32xi32, #tpu.memory_space<vmem>>) semaphore(%arg12 : memref<!tpu.dma_semaphore, #tpu.memory_space<semaphore_mem>>)
    %dma_start3A_169 = arith.constant 1 : i32
    %dma_start3A_170 = arith.constant 64 : i32
    %dma_start3A_171 = arith.constant 0 : i32
    %dma_start3A_172 = tpu.memref_slice %arg9[%dma_start3A_170, %dma_start3A_171] : memref<128x128xf32, #tpu.memory_space<vmem>> -> memref<32x128xf32, #tpu.memory_space<vmem>>
    %dma_start3A_173 = arith.constant 64 : i32
    %dma_start3A_174 = tpu.memref_slice %arg6[%dma_start3A_169, %dma_start3A_173] : memref<40x128xi32, #tpu.memory_space<vmem>> -> memref<1x32xi32, #tpu.memory_space<vmem>>
    %dma_start3A_175 = tpu.memref_squeeze %dma_start3A_174 : memref<1x32xi32, #tpu.memory_space<vmem>> -> memref<32xi32, #tpu.memory_space<vmem>>
    %dma_start3A_176 = arith.constant 0 : i32
    %dma_start3A_177 = arith.constant 0 : i32
    %dma_start3A_178 = tpu.memref_slice %arg2[%dma_start3A_176, %dma_start3A_177] : memref<20480x128xf32, #tpu.memory_space<hbm>> -> memref<20480x128xf32, #tpu.memory_space<hbm>>
    tpu.enqueue_indirect_dma source(%dma_start3A_178 : memref<20480x128xf32, #tpu.memory_space<hbm>>) target(%dma_start3A_172 : memref<32x128xf32, #tpu.memory_space<vmem>>) offsets(%dma_start3A_175 : memref<32xi32, #tpu.memory_space<vmem>>) semaphore(%arg12 : memref<!tpu.dma_semaphore, #tpu.memory_space<semaphore_mem>>)
    %dma_start3A_179 = arith.constant 1 : i32
    %dma_start3A_180 = arith.constant 96 : i32
    %dma_start3A_181 = arith.constant 0 : i32
    %dma_start3A_182 = tpu.memref_slice %arg9[%dma_start3A_180, %dma_start3A_181] : memref<128x128xf32, #tpu.memory_space<vmem>> -> memref<32x128xf32, #tpu.memory_space<vmem>>
    %dma_start3A_183 = arith.constant 96 : i32
    %dma_start3A_184 = tpu.memref_slice %arg6[%dma_start3A_179, %dma_start3A_183] : memref<40x128xi32, #tpu.memory_space<vmem>> -> memref<1x32xi32, #tpu.memory_space<vmem>>
    %dma_start3A_185 = tpu.memref_squeeze %dma_start3A_184 : memref<1x32xi32, #tpu.memory_space<vmem>> -> memref<32xi32, #tpu.memory_space<vmem>>
    %dma_start3A_186 = arith.constant 0 : i32
    %dma_start3A_187 = arith.constant 0 : i32
    %dma_start3A_188 = tpu.memref_slice %arg2[%dma_start3A_186, %dma_start3A_187] : memref<20480x128xf32, #tpu.memory_space<hbm>> -> memref<20480x128xf32, #tpu.memory_space<hbm>>
    tpu.enqueue_indirect_dma source(%dma_start3A_188 : memref<20480x128xf32, #tpu.memory_space<hbm>>) target(%dma_start3A_182 : memref<32x128xf32, #tpu.memory_space<vmem>>) offsets(%dma_start3A_185 : memref<32xi32, #tpu.memory_space<vmem>>) semaphore(%arg12 : memref<!tpu.dma_semaphore, #tpu.memory_space<semaphore_mem>>)
    %scan3A_189 = arith.constant 0 : i32
    %scan3A_190 = arith.constant 0 : i32
    %scan3A_191 = arith.constant 20 : i32
    %scan3A_192 = arith.addi %scan3A_190, %scan3A_191 : i32
    %scan3A_193 = arith.constant 1 : i32
    scf.for %scan3A_197 = %scan3A_190 to %scan3A_192 step %scan3A_193  : i32 {
      %mul3A_198 = arith.constant 2 : i32
      %mul3A_199 = arith.muli %mul3A_198, %scan3A_197 : i32
      %add3A_200 = arith.constant 0 : i32
      %add3A_201 = arith.addi %mul3A_199, %add3A_200 : i32
      %dma_wait3A = arith.constant 0 : i32
      %dma_wait3A_202 = arith.constant 0 : i32
      %dma_wait3A_203 = arith.constant 0 : i32
      %dma_wait3A_204 = tpu.memref_slice %arg8[%dma_wait3A_202, %dma_wait3A_203] : memref<128x128xf32, #tpu.memory_space<vmem>> -> memref<32x128xf32, #tpu.memory_space<vmem>>
      %dma_wait3A_205 = arith.constant 0 : i32
      %dma_wait3A_206 = tpu.memref_slice %arg6[%dma_wait3A, %dma_wait3A_205] : memref<40x128xi32, #tpu.memory_space<vmem>> -> memref<1x32xi32, #tpu.memory_space<vmem>>
      %dma_wait3A_207 = tpu.memref_squeeze %dma_wait3A_206 : memref<1x32xi32, #tpu.memory_space<vmem>> -> memref<32xi32, #tpu.memory_space<vmem>>
      %dma_wait3A_208 = arith.constant 0 : i32
      %dma_wait3A_209 = arith.constant 0 : i32
      %dma_wait3A_210 = tpu.memref_slice %arg2[%dma_wait3A_208, %dma_wait3A_209] : memref<20480x128xf32, #tpu.memory_space<hbm>> -> memref<20480x128xf32, #tpu.memory_space<hbm>>
      tpu.wait_indirect_dma semaphore(%arg11 : memref<!tpu.dma_semaphore, #tpu.memory_space<semaphore_mem>>) src(%dma_wait3A_210 : memref<20480x128xf32, #tpu.memory_space<hbm>>) dst(%dma_wait3A_204 : memref<32x128xf32, #tpu.memory_space<vmem>>)
      %dma_wait3A_211 = arith.constant 0 : i32
      %dma_wait3A_212 = arith.constant 32 : i32
      %dma_wait3A_213 = arith.constant 0 : i32
      %dma_wait3A_214 = tpu.memref_slice %arg8[%dma_wait3A_212, %dma_wait3A_213] : memref<128x128xf32, #tpu.memory_space<vmem>> -> memref<32x128xf32, #tpu.memory_space<vmem>>
      %dma_wait3A_215 = arith.constant 0 : i32
      %dma_wait3A_216 = tpu.memref_slice %arg6[%dma_wait3A_211, %dma_wait3A_215] : memref<40x128xi32, #tpu.memory_space<vmem>> -> memref<1x32xi32, #tpu.memory_space<vmem>>
      %dma_wait3A_217 = tpu.memref_squeeze %dma_wait3A_216 : memref<1x32xi32, #tpu.memory_space<vmem>> -> memref<32xi32, #tpu.memory_space<vmem>>
      %dma_wait3A_218 = arith.constant 0 : i32
      %dma_wait3A_219 = arith.constant 0 : i32
      %dma_wait3A_220 = tpu.memref_slice %arg2[%dma_wait3A_218, %dma_wait3A_219] : memref<20480x128xf32, #tpu.memory_space<hbm>> -> memref<20480x128xf32, #tpu.memory_space<hbm>>
      tpu.wait_indirect_dma semaphore(%arg11 : memref<!tpu.dma_semaphore, #tpu.memory_space<semaphore_mem>>) src(%dma_wait3A_220 : memref<20480x128xf32, #tpu.memory_space<hbm>>) dst(%dma_wait3A_214 : memref<32x128xf32, #tpu.memory_space<vmem>>)
      %dma_wait3A_221 = arith.constant 0 : i32
      %dma_wait3A_222 = arith.constant 64 : i32
      %dma_wait3A_223 = arith.constant 0 : i32
      %dma_wait3A_224 = tpu.memref_slice %arg8[%dma_wait3A_222, %dma_wait3A_223] : memref<128x128xf32, #tpu.memory_space<vmem>> -> memref<32x128xf32, #tpu.memory_space<vmem>>
      %dma_wait3A_225 = arith.constant 0 : i32
      %dma_wait3A_226 = tpu.memref_slice %arg6[%dma_wait3A_221, %dma_wait3A_225] : memref<40x128xi32, #tpu.memory_space<vmem>> -> memref<1x32xi32, #tpu.memory_space<vmem>>
      %dma_wait3A_227 = tpu.memref_squeeze %dma_wait3A_226 : memref<1x32xi32, #tpu.memory_space<vmem>> -> memref<32xi32, #tpu.memory_space<vmem>>
      %dma_wait3A_228 = arith.constant 0 : i32
      %dma_wait3A_229 = arith.constant 0 : i32
      %dma_wait3A_230 = tpu.memref_slice %arg2[%dma_wait3A_228, %dma_wait3A_229] : memref<20480x128xf32, #tpu.memory_space<hbm>> -> memref<20480x128xf32, #tpu.memory_space<hbm>>
      tpu.wait_indirect_dma semaphore(%arg11 : memref<!tpu.dma_semaphore, #tpu.memory_space<semaphore_mem>>) src(%dma_wait3A_230 : memref<20480x128xf32, #tpu.memory_space<hbm>>) dst(%dma_wait3A_224 : memref<32x128xf32, #tpu.memory_space<vmem>>)
      %dma_wait3A_231 = arith.constant 0 : i32
      %dma_wait3A_232 = arith.constant 96 : i32
      %dma_wait3A_233 = arith.constant 0 : i32
      %dma_wait3A_234 = tpu.memref_slice %arg8[%dma_wait3A_232, %dma_wait3A_233] : memref<128x128xf32, #tpu.memory_space<vmem>> -> memref<32x128xf32, #tpu.memory_space<vmem>>
      %dma_wait3A_235 = arith.constant 0 : i32
      %dma_wait3A_236 = tpu.memref_slice %arg6[%dma_wait3A_231, %dma_wait3A_235] : memref<40x128xi32, #tpu.memory_space<vmem>> -> memref<1x32xi32, #tpu.memory_space<vmem>>
      %dma_wait3A_237 = tpu.memref_squeeze %dma_wait3A_236 : memref<1x32xi32, #tpu.memory_space<vmem>> -> memref<32xi32, #tpu.memory_space<vmem>>
      %dma_wait3A_238 = arith.constant 0 : i32
      %dma_wait3A_239 = arith.constant 0 : i32
      %dma_wait3A_240 = tpu.memref_slice %arg2[%dma_wait3A_238, %dma_wait3A_239] : memref<20480x128xf32, #tpu.memory_space<hbm>> -> memref<20480x128xf32, #tpu.memory_space<hbm>>
      tpu.wait_indirect_dma semaphore(%arg11 : memref<!tpu.dma_semaphore, #tpu.memory_space<semaphore_mem>>) src(%dma_wait3A_240 : memref<20480x128xf32, #tpu.memory_space<hbm>>) dst(%dma_wait3A_234 : memref<32x128xf32, #tpu.memory_space<vmem>>)
      "tpu.region"() ({
        %run_scoped3A = tpu.sem_alloc : memref<!tpu.dma_semaphore, #tpu.memory_space<semaphore_mem>>
        %dma_start3A_296 = arith.constant 0 : i32
        %dma_start3A_297 = tpu.memref_slice %arg7[%add3A_201, %dma_start3A_296] : memref<40x128xi32, #tpu.memory_space<vmem>> -> memref<1x128xi32, #tpu.memory_space<vmem>>
        %dma_start3A_298 = tpu.memref_squeeze %dma_start3A_297 : memref<1x128xi32, #tpu.memory_space<vmem>> -> memref<128xi32, #tpu.memory_space<vmem>>
        %dma_start3A_299 = arith.constant 0 : i32
        %dma_start3A_300 = arith.constant 0 : i32
        %dma_start3A_301 = tpu.memref_slice %arg10[%dma_start3A_299, %dma_start3A_300] : memref<10240x128xf32, #tpu.memory_space<vmem_shared>> -> memref<10240x128xf32, #tpu.memory_space<vmem_shared>>
        tpu.enqueue_indirect_dma source(%arg8 : memref<128x128xf32, #tpu.memory_space<vmem>>) target(%dma_start3A_301 : memref<10240x128xf32, #tpu.memory_space<vmem_shared>>) offsets(%dma_start3A_298 : memref<128xi32, #tpu.memory_space<vmem>>) semaphore(%run_scoped3A : memref<!tpu.dma_semaphore, #tpu.memory_space<semaphore_mem>>) {add = true}
        %dma_wait3A_302 = arith.constant 0 : i32
        %dma_wait3A_303 = tpu.memref_slice %arg7[%add3A_201, %dma_wait3A_302] : memref<40x128xi32, #tpu.memory_space<vmem>> -> memref<1x128xi32, #tpu.memory_space<vmem>>
        %dma_wait3A_304 = tpu.memref_squeeze %dma_wait3A_303 : memref<1x128xi32, #tpu.memory_space<vmem>> -> memref<128xi32, #tpu.memory_space<vmem>>
        %dma_wait3A_305 = arith.constant 0 : i32
        %dma_wait3A_306 = arith.constant 0 : i32
        %dma_wait3A_307 = tpu.memref_slice %arg10[%dma_wait3A_305, %dma_wait3A_306] : memref<10240x128xf32, #tpu.memory_space<vmem_shared>> -> memref<10240x128xf32, #tpu.memory_space<vmem_shared>>
        tpu.wait_indirect_dma semaphore(%run_scoped3A : memref<!tpu.dma_semaphore, #tpu.memory_space<semaphore_mem>>) src(%arg8 : memref<128x128xf32, #tpu.memory_space<vmem>>) dst(%dma_wait3A_307 : memref<10240x128xf32, #tpu.memory_space<vmem_shared>>)
        tpu.yield
      }) : () -> ()
      %add3A_241 = arith.constant 2 : i32
      %add3A_242 = arith.addi %add3A_201, %add3A_241 : i32
      %lt3A = arith.constant 40 : i32
      %lt3A_243 = arith.cmpi slt, %add3A_242, %lt3A : i32
      %convert_element_type3A = arith.extui %lt3A_243 : i1 to i32
      %cond3A = arith.constant 0 : i32
      %cond3A_244 = arith.cmpi ne, %convert_element_type3A, %cond3A : i32
      scf.if %cond3A_244 {
        %add3A_296 = arith.constant 2 : i32
        %add3A_297 = arith.addi %add3A_201, %add3A_296 : i32
        %dma_start3A_298 = arith.constant 0 : i32
        %dma_start3A_299 = arith.constant 0 : i32
        %dma_start3A_300 = tpu.memref_slice %arg8[%dma_start3A_298, %dma_start3A_299] : memref<128x128xf32, #tpu.memory_space<vmem>> -> memref<32x128xf32, #tpu.memory_space<vmem>>
        %dma_start3A_301 = arith.constant 0 : i32
        %dma_start3A_302 = tpu.memref_slice %arg6[%add3A_297, %dma_start3A_301] : memref<40x128xi32, #tpu.memory_space<vmem>> -> memref<1x32xi32, #tpu.memory_space<vmem>>
        %dma_start3A_303 = tpu.memref_squeeze %dma_start3A_302 : memref<1x32xi32, #tpu.memory_space<vmem>> -> memref<32xi32, #tpu.memory_space<vmem>>
        %dma_start3A_304 = arith.constant 0 : i32
        %dma_start3A_305 = arith.constant 0 : i32
        %dma_start3A_306 = tpu.memref_slice %arg2[%dma_start3A_304, %dma_start3A_305] : memref<20480x128xf32, #tpu.memory_space<hbm>> -> memref<20480x128xf32, #tpu.memory_space<hbm>>
        tpu.enqueue_indirect_dma source(%dma_start3A_306 : memref<20480x128xf32, #tpu.memory_space<hbm>>) target(%dma_start3A_300 : memref<32x128xf32, #tpu.memory_space<vmem>>) offsets(%dma_start3A_303 : memref<32xi32, #tpu.memory_space<vmem>>) semaphore(%arg11 : memref<!tpu.dma_semaphore, #tpu.memory_space<semaphore_mem>>)
        %dma_start3A_307 = arith.constant 32 : i32
        %dma_start3A_308 = arith.constant 0 : i32
        %dma_start3A_309 = tpu.memref_slice %arg8[%dma_start3A_307, %dma_start3A_308] : memref<128x128xf32, #tpu.memory_space<vmem>> -> memref<32x128xf32, #tpu.memory_space<vmem>>
        %dma_start3A_310 = arith.constant 32 : i32
        %dma_start3A_311 = tpu.memref_slice %arg6[%add3A_297, %dma_start3A_310] : memref<40x128xi32, #tpu.memory_space<vmem>> -> memref<1x32xi32, #tpu.memory_space<vmem>>
        %dma_start3A_312 = tpu.memref_squeeze %dma_start3A_311 : memref<1x32xi32, #tpu.memory_space<vmem>> -> memref<32xi32, #tpu.memory_space<vmem>>
        %dma_start3A_313 = arith.constant 0 : i32
        %dma_start3A_314 = arith.constant 0 : i32
        %dma_start3A_315 = tpu.memref_slice %arg2[%dma_start3A_313, %dma_start3A_314] : memref<20480x128xf32, #tpu.memory_space<hbm>> -> memref<20480x128xf32, #tpu.memory_space<hbm>>
        tpu.enqueue_indirect_dma source(%dma_start3A_315 : memref<20480x128xf32, #tpu.memory_space<hbm>>) target(%dma_start3A_309 : memref<32x128xf32, #tpu.memory_space<vmem>>) offsets(%dma_start3A_312 : memref<32xi32, #tpu.memory_space<vmem>>) semaphore(%arg11 : memref<!tpu.dma_semaphore, #tpu.memory_space<semaphore_mem>>)
        %dma_start3A_316 = arith.constant 64 : i32
        %dma_start3A_317 = arith.constant 0 : i32
        %dma_start3A_318 = tpu.memref_slice %arg8[%dma_start3A_316, %dma_start3A_317] : memref<128x128xf32, #tpu.memory_space<vmem>> -> memref<32x128xf32, #tpu.memory_space<vmem>>
        %dma_start3A_319 = arith.constant 64 : i32
        %dma_start3A_320 = tpu.memref_slice %arg6[%add3A_297, %dma_start3A_319] : memref<40x128xi32, #tpu.memory_space<vmem>> -> memref<1x32xi32, #tpu.memory_space<vmem>>
        %dma_start3A_321 = tpu.memref_squeeze %dma_start3A_320 : memref<1x32xi32, #tpu.memory_space<vmem>> -> memref<32xi32, #tpu.memory_space<vmem>>
        %dma_start3A_322 = arith.constant 0 : i32
        %dma_start3A_323 = arith.constant 0 : i32
        %dma_start3A_324 = tpu.memref_slice %arg2[%dma_start3A_322, %dma_start3A_323] : memref<20480x128xf32, #tpu.memory_space<hbm>> -> memref<20480x128xf32, #tpu.memory_space<hbm>>
        tpu.enqueue_indirect_dma source(%dma_start3A_324 : memref<20480x128xf32, #tpu.memory_space<hbm>>) target(%dma_start3A_318 : memref<32x128xf32, #tpu.memory_space<vmem>>) offsets(%dma_start3A_321 : memref<32xi32, #tpu.memory_space<vmem>>) semaphore(%arg11 : memref<!tpu.dma_semaphore, #tpu.memory_space<semaphore_mem>>)
        %dma_start3A_325 = arith.constant 96 : i32
        %dma_start3A_326 = arith.constant 0 : i32
        %dma_start3A_327 = tpu.memref_slice %arg8[%dma_start3A_325, %dma_start3A_326] : memref<128x128xf32, #tpu.memory_space<vmem>> -> memref<32x128xf32, #tpu.memory_space<vmem>>
        %dma_start3A_328 = arith.constant 96 : i32
        %dma_start3A_329 = tpu.memref_slice %arg6[%add3A_297, %dma_start3A_328] : memref<40x128xi32, #tpu.memory_space<vmem>> -> memref<1x32xi32, #tpu.memory_space<vmem>>
        %dma_start3A_330 = tpu.memref_squeeze %dma_start3A_329 : memref<1x32xi32, #tpu.memory_space<vmem>> -> memref<32xi32, #tpu.memory_space<vmem>>
        %dma_start3A_331 = arith.constant 0 : i32
        %dma_start3A_332 = arith.constant 0 : i32
        %dma_start3A_333 = tpu.memref_slice %arg2[%dma_start3A_331, %dma_start3A_332] : memref<20480x128xf32, #tpu.memory_space<hbm>> -> memref<20480x128xf32, #tpu.memory_space<hbm>>
        tpu.enqueue_indirect_dma source(%dma_start3A_333 : memref<20480x128xf32, #tpu.memory_space<hbm>>) target(%dma_start3A_327 : memref<32x128xf32, #tpu.memory_space<vmem>>) offsets(%dma_start3A_330 : memref<32xi32, #tpu.memory_space<vmem>>) semaphore(%arg11 : memref<!tpu.dma_semaphore, #tpu.memory_space<semaphore_mem>>)
      } else {
      }
      %mul3A_245 = arith.constant 2 : i32
      %mul3A_246 = arith.muli %mul3A_245, %scan3A_197 : i32
      %add3A_247 = arith.constant 1 : i32
      %add3A_248 = arith.addi %mul3A_246, %add3A_247 : i32
      %dma_wait3A_249 = arith.constant 0 : i32
      %dma_wait3A_250 = arith.constant 0 : i32
      %dma_wait3A_251 = arith.constant 0 : i32
      %dma_wait3A_252 = tpu.memref_slice %arg9[%dma_wait3A_250, %dma_wait3A_251] : memref<128x128xf32, #tpu.memory_space<vmem>> -> memref<32x128xf32, #tpu.memory_space<vmem>>
      %dma_wait3A_253 = arith.constant 0 : i32
      %dma_wait3A_254 = tpu.memref_slice %arg6[%dma_wait3A_249, %dma_wait3A_253] : memref<40x128xi32, #tpu.memory_space<vmem>> -> memref<1x32xi32, #tpu.memory_space<vmem>>
      %dma_wait3A_255 = tpu.memref_squeeze %dma_wait3A_254 : memref<1x32xi32, #tpu.memory_space<vmem>> -> memref<32xi32, #tpu.memory_space<vmem>>
      %dma_wait3A_256 = arith.constant 0 : i32
      %dma_wait3A_257 = arith.constant 0 : i32
      %dma_wait3A_258 = tpu.memref_slice %arg2[%dma_wait3A_256, %dma_wait3A_257] : memref<20480x128xf32, #tpu.memory_space<hbm>> -> memref<20480x128xf32, #tpu.memory_space<hbm>>
      tpu.wait_indirect_dma semaphore(%arg12 : memref<!tpu.dma_semaphore, #tpu.memory_space<semaphore_mem>>) src(%dma_wait3A_258 : memref<20480x128xf32, #tpu.memory_space<hbm>>) dst(%dma_wait3A_252 : memref<32x128xf32, #tpu.memory_space<vmem>>)
      %dma_wait3A_259 = arith.constant 0 : i32
      %dma_wait3A_260 = arith.constant 32 : i32
      %dma_wait3A_261 = arith.constant 0 : i32
      %dma_wait3A_262 = tpu.memref_slice %arg9[%dma_wait3A_260, %dma_wait3A_261] : memref<128x128xf32, #tpu.memory_space<vmem>> -> memref<32x128xf32, #tpu.memory_space<vmem>>
      %dma_wait3A_263 = arith.constant 0 : i32
      %dma_wait3A_264 = tpu.memref_slice %arg6[%dma_wait3A_259, %dma_wait3A_263] : memref<40x128xi32, #tpu.memory_space<vmem>> -> memref<1x32xi32, #tpu.memory_space<vmem>>
      %dma_wait3A_265 = tpu.memref_squeeze %dma_wait3A_264 : memref<1x32xi32, #tpu.memory_space<vmem>> -> memref<32xi32, #tpu.memory_space<vmem>>
      %dma_wait3A_266 = arith.constant 0 : i32
      %dma_wait3A_267 = arith.constant 0 : i32
      %dma_wait3A_268 = tpu.memref_slice %arg2[%dma_wait3A_266, %dma_wait3A_267] : memref<20480x128xf32, #tpu.memory_space<hbm>> -> memref<20480x128xf32, #tpu.memory_space<hbm>>
      tpu.wait_indirect_dma semaphore(%arg12 : memref<!tpu.dma_semaphore, #tpu.memory_space<semaphore_mem>>) src(%dma_wait3A_268 : memref<20480x128xf32, #tpu.memory_space<hbm>>) dst(%dma_wait3A_262 : memref<32x128xf32, #tpu.memory_space<vmem>>)
      %dma_wait3A_269 = arith.constant 0 : i32
      %dma_wait3A_270 = arith.constant 64 : i32
      %dma_wait3A_271 = arith.constant 0 : i32
      %dma_wait3A_272 = tpu.memref_slice %arg9[%dma_wait3A_270, %dma_wait3A_271] : memref<128x128xf32, #tpu.memory_space<vmem>> -> memref<32x128xf32, #tpu.memory_space<vmem>>
      %dma_wait3A_273 = arith.constant 0 : i32
      %dma_wait3A_274 = tpu.memref_slice %arg6[%dma_wait3A_269, %dma_wait3A_273] : memref<40x128xi32, #tpu.memory_space<vmem>> -> memref<1x32xi32, #tpu.memory_space<vmem>>
      %dma_wait3A_275 = tpu.memref_squeeze %dma_wait3A_274 : memref<1x32xi32, #tpu.memory_space<vmem>> -> memref<32xi32, #tpu.memory_space<vmem>>
      %dma_wait3A_276 = arith.constant 0 : i32
      %dma_wait3A_277 = arith.constant 0 : i32
      %dma_wait3A_278 = tpu.memref_slice %arg2[%dma_wait3A_276, %dma_wait3A_277] : memref<20480x128xf32, #tpu.memory_space<hbm>> -> memref<20480x128xf32, #tpu.memory_space<hbm>>
      tpu.wait_indirect_dma semaphore(%arg12 : memref<!tpu.dma_semaphore, #tpu.memory_space<semaphore_mem>>) src(%dma_wait3A_278 : memref<20480x128xf32, #tpu.memory_space<hbm>>) dst(%dma_wait3A_272 : memref<32x128xf32, #tpu.memory_space<vmem>>)
      %dma_wait3A_279 = arith.constant 0 : i32
      %dma_wait3A_280 = arith.constant 96 : i32
      %dma_wait3A_281 = arith.constant 0 : i32
      %dma_wait3A_282 = tpu.memref_slice %arg9[%dma_wait3A_280, %dma_wait3A_281] : memref<128x128xf32, #tpu.memory_space<vmem>> -> memref<32x128xf32, #tpu.memory_space<vmem>>
      %dma_wait3A_283 = arith.constant 0 : i32
      %dma_wait3A_284 = tpu.memref_slice %arg6[%dma_wait3A_279, %dma_wait3A_283] : memref<40x128xi32, #tpu.memory_space<vmem>> -> memref<1x32xi32, #tpu.memory_space<vmem>>
      %dma_wait3A_285 = tpu.memref_squeeze %dma_wait3A_284 : memref<1x32xi32, #tpu.memory_space<vmem>> -> memref<32xi32, #tpu.memory_space<vmem>>
      %dma_wait3A_286 = arith.constant 0 : i32
      %dma_wait3A_287 = arith.constant 0 : i32
      %dma_wait3A_288 = tpu.memref_slice %arg2[%dma_wait3A_286, %dma_wait3A_287] : memref<20480x128xf32, #tpu.memory_space<hbm>> -> memref<20480x128xf32, #tpu.memory_space<hbm>>
      tpu.wait_indirect_dma semaphore(%arg12 : memref<!tpu.dma_semaphore, #tpu.memory_space<semaphore_mem>>) src(%dma_wait3A_288 : memref<20480x128xf32, #tpu.memory_space<hbm>>) dst(%dma_wait3A_282 : memref<32x128xf32, #tpu.memory_space<vmem>>)
      "tpu.region"() ({
        %run_scoped3A = tpu.sem_alloc : memref<!tpu.dma_semaphore, #tpu.memory_space<semaphore_mem>>
        %dma_start3A_296 = arith.constant 0 : i32
        %dma_start3A_297 = tpu.memref_slice %arg7[%add3A_248, %dma_start3A_296] : memref<40x128xi32, #tpu.memory_space<vmem>> -> memref<1x128xi32, #tpu.memory_space<vmem>>
        %dma_start3A_298 = tpu.memref_squeeze %dma_start3A_297 : memref<1x128xi32, #tpu.memory_space<vmem>> -> memref<128xi32, #tpu.memory_space<vmem>>
        %dma_start3A_299 = arith.constant 0 : i32
        %dma_start3A_300 = arith.constant 0 : i32
        %dma_start3A_301 = tpu.memref_slice %arg10[%dma_start3A_299, %dma_start3A_300] : memref<10240x128xf32, #tpu.memory_space<vmem_shared>> -> memref<10240x128xf32, #tpu.memory_space<vmem_shared>>
        tpu.enqueue_indirect_dma source(%arg9 : memref<128x128xf32, #tpu.memory_space<vmem>>) target(%dma_start3A_301 : memref<10240x128xf32, #tpu.memory_space<vmem_shared>>) offsets(%dma_start3A_298 : memref<128xi32, #tpu.memory_space<vmem>>) semaphore(%run_scoped3A : memref<!tpu.dma_semaphore, #tpu.memory_space<semaphore_mem>>) {add = true}
        %dma_wait3A_302 = arith.constant 0 : i32
        %dma_wait3A_303 = tpu.memref_slice %arg7[%add3A_248, %dma_wait3A_302] : memref<40x128xi32, #tpu.memory_space<vmem>> -> memref<1x128xi32, #tpu.memory_space<vmem>>
        %dma_wait3A_304 = tpu.memref_squeeze %dma_wait3A_303 : memref<1x128xi32, #tpu.memory_space<vmem>> -> memref<128xi32, #tpu.memory_space<vmem>>
        %dma_wait3A_305 = arith.constant 0 : i32
        %dma_wait3A_306 = arith.constant 0 : i32
        %dma_wait3A_307 = tpu.memref_slice %arg10[%dma_wait3A_305, %dma_wait3A_306] : memref<10240x128xf32, #tpu.memory_space<vmem_shared>> -> memref<10240x128xf32, #tpu.memory_space<vmem_shared>>
        tpu.wait_indirect_dma semaphore(%run_scoped3A : memref<!tpu.dma_semaphore, #tpu.memory_space<semaphore_mem>>) src(%arg9 : memref<128x128xf32, #tpu.memory_space<vmem>>) dst(%dma_wait3A_307 : memref<10240x128xf32, #tpu.memory_space<vmem_shared>>)
        tpu.yield
      }) : () -> ()
      %add3A_289 = arith.constant 2 : i32
      %add3A_290 = arith.addi %add3A_248, %add3A_289 : i32
      %lt3A_291 = arith.constant 40 : i32
      %lt3A_292 = arith.cmpi slt, %add3A_290, %lt3A_291 : i32
      %convert_element_type3A_293 = arith.extui %lt3A_292 : i1 to i32
      %cond3A_294 = arith.constant 0 : i32
      %cond3A_295 = arith.cmpi ne, %convert_element_type3A_293, %cond3A_294 : i32
      scf.if %cond3A_295 {
        %add3A_296 = arith.constant 2 : i32
        %add3A_297 = arith.addi %add3A_248, %add3A_296 : i32
        %dma_start3A_298 = arith.constant 0 : i32
        %dma_start3A_299 = arith.constant 0 : i32
        %dma_start3A_300 = tpu.memref_slice %arg9[%dma_start3A_298, %dma_start3A_299] : memref<128x128xf32, #tpu.memory_space<vmem>> -> memref<32x128xf32, #tpu.memory_space<vmem>>
        %dma_start3A_301 = arith.constant 0 : i32
        %dma_start3A_302 = tpu.memref_slice %arg6[%add3A_297, %dma_start3A_301] : memref<40x128xi32, #tpu.memory_space<vmem>> -> memref<1x32xi32, #tpu.memory_space<vmem>>
        %dma_start3A_303 = tpu.memref_squeeze %dma_start3A_302 : memref<1x32xi32, #tpu.memory_space<vmem>> -> memref<32xi32, #tpu.memory_space<vmem>>
        %dma_start3A_304 = arith.constant 0 : i32
        %dma_start3A_305 = arith.constant 0 : i32
        %dma_start3A_306 = tpu.memref_slice %arg2[%dma_start3A_304, %dma_start3A_305] : memref<20480x128xf32, #tpu.memory_space<hbm>> -> memref<20480x128xf32, #tpu.memory_space<hbm>>
        tpu.enqueue_indirect_dma source(%dma_start3A_306 : memref<20480x128xf32, #tpu.memory_space<hbm>>) target(%dma_start3A_300 : memref<32x128xf32, #tpu.memory_space<vmem>>) offsets(%dma_start3A_303 : memref<32xi32, #tpu.memory_space<vmem>>) semaphore(%arg12 : memref<!tpu.dma_semaphore, #tpu.memory_space<semaphore_mem>>)
        %dma_start3A_307 = arith.constant 32 : i32
        %dma_start3A_308 = arith.constant 0 : i32
        %dma_start3A_309 = tpu.memref_slice %arg9[%dma_start3A_307, %dma_start3A_308] : memref<128x128xf32, #tpu.memory_space<vmem>> -> memref<32x128xf32, #tpu.memory_space<vmem>>
        %dma_start3A_310 = arith.constant 32 : i32
        %dma_start3A_311 = tpu.memref_slice %arg6[%add3A_297, %dma_start3A_310] : memref<40x128xi32, #tpu.memory_space<vmem>> -> memref<1x32xi32, #tpu.memory_space<vmem>>
        %dma_start3A_312 = tpu.memref_squeeze %dma_start3A_311 : memref<1x32xi32, #tpu.memory_space<vmem>> -> memref<32xi32, #tpu.memory_space<vmem>>
        %dma_start3A_313 = arith.constant 0 : i32
        %dma_start3A_314 = arith.constant 0 : i32
        %dma_start3A_315 = tpu.memref_slice %arg2[%dma_start3A_313, %dma_start3A_314] : memref<20480x128xf32, #tpu.memory_space<hbm>> -> memref<20480x128xf32, #tpu.memory_space<hbm>>
        tpu.enqueue_indirect_dma source(%dma_start3A_315 : memref<20480x128xf32, #tpu.memory_space<hbm>>) target(%dma_start3A_309 : memref<32x128xf32, #tpu.memory_space<vmem>>) offsets(%dma_start3A_312 : memref<32xi32, #tpu.memory_space<vmem>>) semaphore(%arg12 : memref<!tpu.dma_semaphore, #tpu.memory_space<semaphore_mem>>)
        %dma_start3A_316 = arith.constant 64 : i32
        %dma_start3A_317 = arith.constant 0 : i32
        %dma_start3A_318 = tpu.memref_slice %arg9[%dma_start3A_316, %dma_start3A_317] : memref<128x128xf32, #tpu.memory_space<vmem>> -> memref<32x128xf32, #tpu.memory_space<vmem>>
        %dma_start3A_319 = arith.constant 64 : i32
        %dma_start3A_320 = tpu.memref_slice %arg6[%add3A_297, %dma_start3A_319] : memref<40x128xi32, #tpu.memory_space<vmem>> -> memref<1x32xi32, #tpu.memory_space<vmem>>
        %dma_start3A_321 = tpu.memref_squeeze %dma_start3A_320 : memref<1x32xi32, #tpu.memory_space<vmem>> -> memref<32xi32, #tpu.memory_space<vmem>>
        %dma_start3A_322 = arith.constant 0 : i32
        %dma_start3A_323 = arith.constant 0 : i32
        %dma_start3A_324 = tpu.memref_slice %arg2[%dma_start3A_322, %dma_start3A_323] : memref<20480x128xf32, #tpu.memory_space<hbm>> -> memref<20480x128xf32, #tpu.memory_space<hbm>>
        tpu.enqueue_indirect_dma source(%dma_start3A_324 : memref<20480x128xf32, #tpu.memory_space<hbm>>) target(%dma_start3A_318 : memref<32x128xf32, #tpu.memory_space<vmem>>) offsets(%dma_start3A_321 : memref<32xi32, #tpu.memory_space<vmem>>) semaphore(%arg12 : memref<!tpu.dma_semaphore, #tpu.memory_space<semaphore_mem>>)
        %dma_start3A_325 = arith.constant 96 : i32
        %dma_start3A_326 = arith.constant 0 : i32
        %dma_start3A_327 = tpu.memref_slice %arg9[%dma_start3A_325, %dma_start3A_326] : memref<128x128xf32, #tpu.memory_space<vmem>> -> memref<32x128xf32, #tpu.memory_space<vmem>>
        %dma_start3A_328 = arith.constant 96 : i32
        %dma_start3A_329 = tpu.memref_slice %arg6[%add3A_297, %dma_start3A_328] : memref<40x128xi32, #tpu.memory_space<vmem>> -> memref<1x32xi32, #tpu.memory_space<vmem>>
        %dma_start3A_330 = tpu.memref_squeeze %dma_start3A_329 : memref<1x32xi32, #tpu.memory_space<vmem>> -> memref<32xi32, #tpu.memory_space<vmem>>
        %dma_start3A_331 = arith.constant 0 : i32
        %dma_start3A_332 = arith.constant 0 : i32
        %dma_start3A_333 = tpu.memref_slice %arg2[%dma_start3A_331, %dma_start3A_332] : memref<20480x128xf32, #tpu.memory_space<hbm>> -> memref<20480x128xf32, #tpu.memory_space<hbm>>
        tpu.enqueue_indirect_dma source(%dma_start3A_333 : memref<20480x128xf32, #tpu.memory_space<hbm>>) target(%dma_start3A_327 : memref<32x128xf32, #tpu.memory_space<vmem>>) offsets(%dma_start3A_330 : memref<32xi32, #tpu.memory_space<vmem>>) semaphore(%arg12 : memref<!tpu.dma_semaphore, #tpu.memory_space<semaphore_mem>>)
      } else {
      }
    }
    %scan3A_194 = arith.constant 20 : i32
    %barrier3A_195 = arith.constant 0 : index
    tpu.barrier barrier_id(%barrier3A_195)
    %add3A_196 = arith.addi %mul3A_2, %mul3A_0 : i32
    "tpu.region"() ({
      %run_scoped3A = tpu.sem_alloc : memref<!tpu.dma_semaphore, #tpu.memory_space<semaphore_mem>>
      %dma_start3A_197 = arith.constant 0 : i32
      %dma_start3A_198 = tpu.memref_slice %arg5[%add3A_196, %dma_start3A_197] : memref<20480x128xf32, #tpu.memory_space<hbm>> -> memref<640x128xf32, #tpu.memory_space<hbm>>
      %dma_start3A_199 = arith.constant 0 : i32
      %dma_start3A_200 = tpu.memref_slice %arg10[%mul3A_0, %dma_start3A_199] : memref<10240x128xf32, #tpu.memory_space<vmem_shared>> -> memref<640x128xf32, #tpu.memory_space<vmem_shared>>
      tpu.enqueue_dma source(%dma_start3A_200 : memref<640x128xf32, #tpu.memory_space<vmem_shared>>) target(%dma_start3A_198 : memref<640x128xf32, #tpu.memory_space<hbm>>) target_semaphore(%run_scoped3A : memref<!tpu.dma_semaphore, #tpu.memory_space<semaphore_mem>>)
      %dma_wait3A = arith.constant 0 : i32
      %dma_wait3A_201 = tpu.memref_slice %arg5[%add3A_196, %dma_wait3A] : memref<20480x128xf32, #tpu.memory_space<hbm>> -> memref<640x128xf32, #tpu.memory_space<hbm>>
      %dma_wait3A_202 = arith.constant 0 : i32
      %dma_wait3A_203 = tpu.memref_slice %arg10[%mul3A_0, %dma_wait3A_202] : memref<10240x128xf32, #tpu.memory_space<vmem_shared>> -> memref<640x128xf32, #tpu.memory_space<vmem_shared>>
      tpu.wait_dma2 semaphore(%run_scoped3A : memref<!tpu.dma_semaphore, #tpu.memory_space<semaphore_mem>>) src(%dma_wait3A_203 : memref<640x128xf32, #tpu.memory_space<vmem_shared>>) dst(%dma_wait3A_201 : memref<640x128xf32, #tpu.memory_space<hbm>>)
      tpu.yield
    }) : () -> ()
    return
  }
}

module attributes {stable_mosaic.version = 14 : i64} {
  func.func @_tc1_body(%arg0: i32, %arg1: memref<2x1000x128xf32, #tpu.memory_space<vmem>>, %arg2: memref<1000x1280xbf16, #tpu.memory_space<vmem>>, %arg3: memref<1280x256xbf16, #tpu.memory_space<vmem>>, %arg4: memref<1x256xf32, #tpu.memory_space<vmem>>, %arg5: memref<256x256xbf16, #tpu.memory_space<vmem>>, %arg6: memref<2x1000x128xf32, #tpu.memory_space<vmem>>) attributes {dimension_semantics = [#tpu.dimension_semantics<arbitrary>], iteration_bounds = array<i64: 10>, scalar_prefetch = 0 : i64, scratch_operands = 0 : i64, tpu.core_type = #tpu.core_type<tc>, window_params = [{transform_indices = @transform_0, window_bounds = array<i64: 2, 1000, 128>}, {transform_indices = @transform_1, window_bounds = array<i64: 1000, 1280>}, {pipeline_mode = #tpu.pipeline_mode<synchronous>, transform_indices = @transform_2, window_bounds = array<i64: 1280, 256>}, {pipeline_mode = #tpu.pipeline_mode<synchronous>, transform_indices = @transform_3, window_bounds = array<i64: 1, 256>}, {pipeline_mode = #tpu.pipeline_mode<synchronous>, transform_indices = @transform_4, window_bounds = array<i64: 256, 256>}, {transform_indices = @transform_5, window_bounds = array<i64: 2, 1000, 128>}]} {
    %get3A = arith.constant 0 : index
    %get3A_0 = arith.constant 0 : index
    %get3A_1 = arith.constant 0 : index
    %get3A_2 = vector.load %arg1[%get3A, %get3A_0, %get3A_1] : memref<2x1000x128xf32, #tpu.memory_space<vmem>>, vector<1x1000x128xf32>
    %get3A_3 = vector.shape_cast %get3A_2 : vector<1x1000x128xf32> to vector<1000x128xf32>
    %slice3A = vector.extract_strided_slice %get3A_3 {offsets = [0, 0], sizes = [1000, 1], strides = [1, 1]} : vector<1000x128xf32> to vector<1000x1xf32>
    %add3A = arith.constant 1.000000e+00 : f32
    %add3A_4 = vector.broadcast %add3A : f32 to vector<1000x1xf32>
    %add3A_5 = arith.addf %add3A_4, %slice3A : vector<1000x1xf32>
    %get3A_6 = arith.constant 1 : index
    %get3A_7 = arith.constant 0 : index
    %get3A_8 = arith.constant 0 : index
    %get3A_9 = vector.load %arg1[%get3A_6, %get3A_7, %get3A_8] : memref<2x1000x128xf32, #tpu.memory_space<vmem>>, vector<1x1000x128xf32>
    %get3A_10 = vector.shape_cast %get3A_9 : vector<1x1000x128xf32> to vector<1000x128xf32>
    %slice3A_11 = vector.extract_strided_slice %get3A_10 {offsets = [0, 0], sizes = [1000, 1], strides = [1, 1]} : vector<1000x128xf32> to vector<1000x1xf32>
    %add3A_12 = arith.addf %add3A_5, %slice3A_11 : vector<1000x1xf32>
    %rsqrt3A = math.rsqrt %add3A_12 : vector<1000x1xf32>
    %get3A_13 = arith.constant 0 : index
    %get3A_14 = arith.constant 0 : index
    %get3A_15 = vector.load %arg2[%get3A_13, %get3A_14] : memref<1000x1280xbf16, #tpu.memory_space<vmem>>, vector<1000x1280xbf16>
    %get3A_16 = arith.constant 0 : index
    %get3A_17 = arith.constant 0 : index
    %get3A_18 = vector.load %arg3[%get3A_16, %get3A_17] : memref<1280x256xbf16, #tpu.memory_space<vmem>>, vector<1280x256xbf16>
    %dot_general3A = arith.constant dense<0.000000e+00> : vector<1000x256xf32>
    %dot_general3A_19 = tpu.matmul %get3A_15, %get3A_18, %dot_general3A {dimension_numbers = #tpu.dot_dimension_numbers<[1], [0], [0], [1], [0, 0, 1, 1], [], []>, transpose_lhs_hint = false} : vector<1000x1280xbf16>, vector<1280x256xbf16>, vector<1000x256xf32> -> vector<1000x256xf32>
    %get3A_20 = arith.constant 0 : index
    %get3A_21 = arith.constant 0 : index
    %get3A_22 = vector.load %arg4[%get3A_20, %get3A_21] : memref<1x256xf32, #tpu.memory_space<vmem>>, vector<1x256xf32>
    %add3A_23 = vector.broadcast %get3A_22 : vector<1x256xf32> to vector<1000x256xf32>
    %add3A_24 = arith.addf %dot_general3A_19, %add3A_23 : vector<1000x256xf32>
    %max3A = arith.constant 0.000000e+00 : f32
    %max3A_25 = vector.broadcast %max3A : f32 to vector<1000x256xf32>
    %max3A_26 = arith.maximumf %add3A_24, %max3A_25 : vector<1000x256xf32>
    %convert_element_type3A = arith.truncf %max3A_26 : vector<1000x256xf32> to vector<1000x256xbf16>
    %get3A_27 = arith.constant 0 : index
    %get3A_28 = arith.constant 0 : index
    %get3A_29 = vector.load %arg5[%get3A_27, %get3A_28] : memref<256x256xbf16, #tpu.memory_space<vmem>>, vector<256x256xbf16>
    %dot_general3A_30 = arith.constant dense<0.000000e+00> : vector<1000x256xf32>
    %dot_general3A_31 = tpu.matmul %convert_element_type3A, %get3A_29, %dot_general3A_30 {dimension_numbers = #tpu.dot_dimension_numbers<[1], [0], [0], [1], [0, 0, 1, 1], [], []>, transpose_lhs_hint = false} : vector<1000x256xbf16>, vector<256x256xbf16>, vector<1000x256xf32> -> vector<1000x256xf32>
    %mul3A = vector.broadcast %rsqrt3A : vector<1000x1xf32> to vector<1000x256xf32>
    %mul3A_32 = arith.mulf %dot_general3A_31, %mul3A : vector<1000x256xf32>
    %slice3A_33 = vector.extract_strided_slice %mul3A_32 {offsets = [0, 0], sizes = [1000, 128], strides = [1, 1]} : vector<1000x256xf32> to vector<1000x128xf32>
    %swap3A = arith.constant 0 : index
    %swap3A_34 = arith.constant 0 : index
    %swap3A_35 = arith.constant 0 : index
    %swap3A_36 = vector.load %arg6[%swap3A, %swap3A_34, %swap3A_35] : memref<2x1000x128xf32, #tpu.memory_space<vmem>>, vector<1x1000x128xf32>
    %swap3A_37 = vector.shape_cast %swap3A_36 : vector<1x1000x128xf32> to vector<1000x128xf32>
    %swap3A_38 = vector.shape_cast %slice3A_33 : vector<1000x128xf32> to vector<1x1000x128xf32>
    tpu.vector_store %arg6[%swap3A, %swap3A_34, %swap3A_35], %swap3A_38 {strides = array<i32>} : memref<2x1000x128xf32, #tpu.memory_space<vmem>>, vector<1x1000x128xf32>,
    %slice3A_39 = vector.extract_strided_slice %mul3A_32 {offsets = [0, 128], sizes = [1000, 128], strides = [1, 1]} : vector<1000x256xf32> to vector<1000x128xf32>
    %swap3A_40 = arith.constant 1 : index
    %swap3A_41 = arith.constant 0 : index
    %swap3A_42 = arith.constant 0 : index
    %swap3A_43 = vector.load %arg6[%swap3A_40, %swap3A_41, %swap3A_42] : memref<2x1000x128xf32, #tpu.memory_space<vmem>>, vector<1x1000x128xf32>
    %swap3A_44 = vector.shape_cast %swap3A_43 : vector<1x1000x128xf32> to vector<1000x128xf32>
    %swap3A_45 = vector.shape_cast %slice3A_39 : vector<1000x128xf32> to vector<1x1000x128xf32>
    tpu.vector_store %arg6[%swap3A_40, %swap3A_41, %swap3A_42], %swap3A_45 {strides = array<i32>} : memref<2x1000x128xf32, #tpu.memory_space<vmem>>, vector<1x1000x128xf32>,
    return
  }
  func.func @transform_0(%arg0: i32) -> (i32, i32, i32) {
    %c0_i32 = arith.constant 0 : i32
    %c0_i32_0 = arith.constant 0 : i32
    %c0_i32_1 = arith.constant 0 : i32
    return %c0_i32, %arg0, %c0_i32_0 : i32, i32, i32
  }
  func.func @transform_1(%arg0: i32) -> (i32, i32) {
    %c0_i32 = arith.constant 0 : i32
    %c0_i32_0 = arith.constant 0 : i32
    return %arg0, %c0_i32 : i32, i32
  }
  func.func @transform_2(%arg0: i32) -> (i32, i32) {
    %c0_i32 = arith.constant 0 : i32
    %c0_i32_0 = arith.constant 0 : i32
    %c0_i32_1 = arith.constant 0 : i32
    return %c0_i32, %c0_i32_0 : i32, i32
  }
  func.func @transform_3(%arg0: i32) -> (i32, i32) {
    %c0_i32 = arith.constant 0 : i32
    %c0_i32_0 = arith.constant 0 : i32
    %c0_i32_1 = arith.constant 0 : i32
    return %c0_i32, %c0_i32_0 : i32, i32
  }
  func.func @transform_4(%arg0: i32) -> (i32, i32) {
    %c0_i32 = arith.constant 0 : i32
    %c0_i32_0 = arith.constant 0 : i32
    %c0_i32_1 = arith.constant 0 : i32
    return %c0_i32, %c0_i32_0 : i32, i32
  }
  func.func @transform_5(%arg0: i32) -> (i32, i32, i32) {
    %c0_i32 = arith.constant 0 : i32
    %c0_i32_0 = arith.constant 0 : i32
    %c0_i32_1 = arith.constant 0 : i32
    return %c0_i32, %arg0, %c0_i32_0 : i32, i32, i32
  }
}

module attributes {stable_mosaic.version = 14 : i64} {
  func.func @_tc2_body(%arg0: i32, %arg1: memref<2x1000x128xf32, #tpu.memory_space<vmem>>, %arg2: memref<2x1000x128xf32, #tpu.memory_space<vmem>>, %arg3: memref<1x256xf32, #tpu.memory_space<vmem>>, %arg4: memref<1x1x1000xi32, #tpu.memory_space<vmem>>, %arg5: memref<128x1xi32, #tpu.memory_space<vmem>>, %arg6: memref<256x256xf32, #tpu.memory_space<vmem>>, %arg7: memref<256x256xf32, #tpu.memory_space<vmem>>, %arg8: memref<1x256xf32, #tpu.memory_space<vmem>>, %arg9: memref<1x256xf32, #tpu.memory_space<vmem>>, %arg10: memref<256x256xf32, #tpu.memory_space<vmem>>, %arg11: memref<256x256xf32, #tpu.memory_space<vmem>>, %arg12: memref<1x256xf32, #tpu.memory_space<vmem>>, %arg13: memref<1x256xf32, #tpu.memory_space<vmem>>, %arg14: memref<128x512xf32, #tpu.memory_space<vmem>>, %arg15: memref<128x256xf32, #tpu.memory_space<vmem>>, %arg16: memref<128x1xf32, #tpu.memory_space<vmem>>, %arg17: memref<128x256xf32, #tpu.memory_space<vmem>>) attributes {dimension_semantics = [#tpu.dimension_semantics<arbitrary>], iteration_bounds = array<i64: 10>, scalar_prefetch = 0 : i64, scratch_operands = 3 : i64, tpu.core_type = #tpu.core_type<tc>, window_params = [{transform_indices = @transform_0, window_bounds = array<i64: 2, 1000, 128>}, {transform_indices = @transform_1, window_bounds = array<i64: 2, 1000, 128>}, {pipeline_mode = #tpu.pipeline_mode<synchronous>, transform_indices = @transform_2, window_bounds = array<i64: 1, 256>}, {transform_indices = @transform_3, window_bounds = array<i64: 1, 1, 1000>}, {pipeline_mode = #tpu.pipeline_mode<synchronous>, transform_indices = @transform_4, window_bounds = array<i64: 128, 1>}, {pipeline_mode = #tpu.pipeline_mode<synchronous>, transform_indices = @transform_5, window_bounds = array<i64: 256, 256>}, {pipeline_mode = #tpu.pipeline_mode<synchronous>, transform_indices = @transform_6, window_bounds = array<i64: 256, 256>}, {pipeline_mode = #tpu.pipeline_mode<synchronous>, transform_indices = @transform_7, window_bounds = array<i64: 1, 256>}, {pipeline_mode = #tpu.pipeline_mode<synchronous>, transform_indices = @transform_8, window_bounds = array<i64: 1, 256>}, {pipeline_mode = #tpu.pipeline_mode<synchronous>, transform_indices = @transform_9, window_bounds = array<i64: 256, 256>}, {pipeline_mode = #tpu.pipeline_mode<synchronous>, transform_indices = @transform_10, window_bounds = array<i64: 256, 256>}, {pipeline_mode = #tpu.pipeline_mode<synchronous>, transform_indices = @transform_11, window_bounds = array<i64: 1, 256>}, {pipeline_mode = #tpu.pipeline_mode<synchronous>, transform_indices = @transform_12, window_bounds = array<i64: 1, 256>}, {pipeline_mode = #tpu.pipeline_mode<synchronous>, transform_indices = @transform_13, window_bounds = array<i64: 128, 512>}]} {
    %eq3A = arith.constant 0 : i32
    %eq3A_0 = arith.cmpi eq, %arg0, %eq3A : i32
    %convert_element_type3A = arith.extui %eq3A_0 : i1 to i32
    %cond3A = arith.constant 0 : i32
    %cond3A_1 = arith.cmpi ne, %convert_element_type3A, %cond3A : i32
    scf.if %cond3A_1 {
      %broadcast_in_dim3A_87 = arith.constant 0.000000e+00 : f32
      %broadcast_in_dim3A_88 = vector.broadcast %broadcast_in_dim3A_87 : f32 to vector<128x256xf32>
      %swap3A_89 = arith.constant 0 : index
      %swap3A_90 = arith.constant 0 : index
      %swap3A_91 = vector.load %arg15[%swap3A_89, %swap3A_90] : memref<128x256xf32, #tpu.memory_space<vmem>>, vector<128x256xf32>
      tpu.vector_store %arg15[%swap3A_89, %swap3A_90], %broadcast_in_dim3A_88 {strides = array<i32>} : memref<128x256xf32, #tpu.memory_space<vmem>>, vector<128x256xf32>,
      %broadcast_in_dim3A_92 = arith.constant 0.000000e+00 : f32
      %broadcast_in_dim3A_93 = vector.broadcast %broadcast_in_dim3A_92 : f32 to vector<128x1xf32>
      %swap3A_94 = arith.constant 0 : index
      %swap3A_95 = arith.constant 0 : index
      %swap3A_96 = vector.load %arg16[%swap3A_94, %swap3A_95] : memref<128x1xf32, #tpu.memory_space<vmem>>, vector<128x1xf32>
      tpu.vector_store %arg16[%swap3A_94, %swap3A_95], %broadcast_in_dim3A_93 {strides = array<i32>} : memref<128x1xf32, #tpu.memory_space<vmem>>, vector<128x1xf32>,
      %broadcast_in_dim3A_97 = arith.constant 0.000000e+00 : f32
      %broadcast_in_dim3A_98 = vector.broadcast %broadcast_in_dim3A_97 : f32 to vector<128x256xf32>
      %swap3A_99 = arith.constant 0 : index
      %swap3A_100 = arith.constant 0 : index
      %swap3A_101 = vector.load %arg17[%swap3A_99, %swap3A_100] : memref<128x256xf32, #tpu.memory_space<vmem>>, vector<128x256xf32>
      tpu.vector_store %arg17[%swap3A_99, %swap3A_100], %broadcast_in_dim3A_98 {strides = array<i32>} : memref<128x256xf32, #tpu.memory_space<vmem>>, vector<128x256xf32>,
    } else {
    }
    %get3A = arith.constant 0 : index
    %get3A_2 = arith.constant 0 : index
    %get3A_3 = arith.constant 0 : index
    %get3A_4 = vector.load %arg2[%get3A, %get3A_2, %get3A_3] : memref<2x1000x128xf32, #tpu.memory_space<vmem>>, vector<1x1000x128xf32>
    %get3A_5 = vector.shape_cast %get3A_4 : vector<1x1000x128xf32> to vector<1000x128xf32>
    %slice3A = vector.extract_strided_slice %get3A_5 {offsets = [0, 0], sizes = [1000, 1], strides = [1, 1]} : vector<1000x128xf32> to vector<1000x1xf32>
    %add3A = arith.constant 1.000000e+00 : f32
    %add3A_6 = vector.broadcast %add3A : f32 to vector<1000x1xf32>
    %add3A_7 = arith.addf %add3A_6, %slice3A : vector<1000x1xf32>
    %get3A_8 = arith.constant 1 : index
    %get3A_9 = arith.constant 0 : index
    %get3A_10 = arith.constant 0 : index
    %get3A_11 = vector.load %arg2[%get3A_8, %get3A_9, %get3A_10] : memref<2x1000x128xf32, #tpu.memory_space<vmem>>, vector<1x1000x128xf32>
    %get3A_12 = vector.shape_cast %get3A_11 : vector<1x1000x128xf32> to vector<1000x128xf32>
    %slice3A_13 = vector.extract_strided_slice %get3A_12 {offsets = [0, 0], sizes = [1000, 1], strides = [1, 1]} : vector<1000x128xf32> to vector<1000x1xf32>
    %add3A_14 = arith.addf %add3A_7, %slice3A_13 : vector<1000x1xf32>
    %rsqrt3A = math.rsqrt %add3A_14 : vector<1000x1xf32>
    %get3A_15 = arith.constant 0 : index
    %get3A_16 = arith.constant 0 : index
    %get3A_17 = arith.constant 0 : index
    %get3A_18 = vector.load %arg1[%get3A_15, %get3A_16, %get3A_17] : memref<2x1000x128xf32, #tpu.memory_space<vmem>>, vector<1x1000x128xf32>
    %get3A_19 = vector.shape_cast %get3A_18 : vector<1x1000x128xf32> to vector<1000x128xf32>
    %get3A_20 = arith.constant 1 : index
    %get3A_21 = arith.constant 0 : index
    %get3A_22 = arith.constant 0 : index
    %get3A_23 = vector.load %arg1[%get3A_20, %get3A_21, %get3A_22] : memref<2x1000x128xf32, #tpu.memory_space<vmem>>, vector<1x1000x128xf32>
    %get3A_24 = vector.shape_cast %get3A_23 : vector<1x1000x128xf32> to vector<1000x128xf32>
    %concatenate3A = tpu.concatenate %get3A_19, %get3A_24 in 1 : vector<1000x128xf32>, vector<1000x128xf32> -> vector<1000x256xf32>
    %mul3A = vector.broadcast %rsqrt3A : vector<1000x1xf32> to vector<1000x256xf32>
    %mul3A_25 = arith.mulf %concatenate3A, %mul3A : vector<1000x256xf32>
    %get3A_26 = arith.constant 0 : index
    %get3A_27 = arith.constant 0 : index
    %get3A_28 = vector.load %arg3[%get3A_26, %get3A_27] : memref<1x256xf32, #tpu.memory_space<vmem>>, vector<1x256xf32>
    %add3A_29 = vector.broadcast %get3A_28 : vector<1x256xf32> to vector<1000x256xf32>
    %add3A_30 = arith.addf %mul3A_25, %add3A_29 : vector<1000x256xf32>
    %max3A = arith.constant 0.000000e+00 : f32
    %max3A_31 = vector.broadcast %max3A : f32 to vector<1000x256xf32>
    %max3A_32 = arith.maximumf %add3A_30, %max3A_31 : vector<1000x256xf32>
    %get3A_33 = arith.constant 0 : index
    %get3A_34 = arith.constant 0 : index
    %get3A_35 = arith.constant 0 : index
    %get3A_36 = vector.load %arg4[%get3A_33, %get3A_34, %get3A_35] : memref<1x1x1000xi32, #tpu.memory_space<vmem>>, vector<1x1x1000xi32>
    %get3A_37 = vector.shape_cast %get3A_36 : vector<1x1x1000xi32> to vector<1x1000xi32>
    %iota3A = tpu.iota {dimensions = array<i32: 0>} : vector<128x1000xi32>
    %eq3A_38 = vector.broadcast %get3A_37 : vector<1x1000xi32> to vector<128x1000xi32>
    %eq3A_39 = arith.cmpi eq, %eq3A_38, %iota3A : vector<128x1000xi32>
    %jit3A = arith.constant 1.000000e+00 : f32
    %jit3A_40 = arith.constant 0.000000e+00 : f32
    %broadcast_in_dim3A = vector.broadcast %jit3A : f32 to vector<128x1000xf32>
    %broadcast_in_dim3A_41 = vector.broadcast %jit3A_40 : f32 to vector<128x1000xf32>
    %select_n3A = arith.select %eq3A_39, %broadcast_in_dim3A, %broadcast_in_dim3A_41 : vector<128x1000xi1>, vector<128x1000xf32>
    %get3A_42 = arith.constant 0 : index
    %get3A_43 = arith.constant 0 : index
    %get3A_44 = vector.load %arg15[%get3A_42, %get3A_43] : memref<128x256xf32, #tpu.memory_space<vmem>>, vector<128x256xf32>
    %dot_general3A = arith.constant dense<0.000000e+00> : vector<128x256xf32>
    %dot_general3A_45 = tpu.matmul %select_n3A, %max3A_32, %dot_general3A {dimension_numbers = #tpu.dot_dimension_numbers<[1], [0], [0], [1], [0, 0, 1, 1], [], []>, transpose_lhs_hint = false} : vector<128x1000xf32>, vector<1000x256xf32>, vector<128x256xf32> -> vector<128x256xf32>
    %add3A_46 = arith.addf %get3A_44, %dot_general3A_45 : vector<128x256xf32>
    %swap3A = arith.constant 0 : index
    %swap3A_47 = arith.constant 0 : index
    %swap3A_48 = vector.load %arg15[%swap3A, %swap3A_47] : memref<128x256xf32, #tpu.memory_space<vmem>>, vector<128x256xf32>
    tpu.vector_store %arg15[%swap3A, %swap3A_47], %add3A_46 {strides = array<i32>} : memref<128x256xf32, #tpu.memory_space<vmem>>, vector<128x256xf32>,
    %get3A_49 = arith.constant 0 : index
    %get3A_50 = arith.constant 0 : index
    %get3A_51 = vector.load %arg16[%get3A_49, %get3A_50] : memref<128x1xf32, #tpu.memory_space<vmem>>, vector<128x1xf32>
    %reduce_sum3A = arith.constant dense<0.000000e+00> : vector<128xf32>
    %reduce_sum3A_52 = vector.multi_reduction <add>, %select_n3A, %reduce_sum3A [1] : vector<128x1000xf32> to vector<128xf32>
    %broadcast_in_dim3A_53 = vector.shape_cast %reduce_sum3A_52 : vector<128xf32> to vector<128x1xf32>
    %add3A_54 = arith.addf %get3A_51, %broadcast_in_dim3A_53 : vector<128x1xf32>
    %swap3A_55 = arith.constant 0 : index
    %swap3A_56 = arith.constant 0 : index
    %swap3A_57 = vector.load %arg16[%swap3A_55, %swap3A_56] : memref<128x1xf32, #tpu.memory_space<vmem>>, vector<128x1xf32>
    tpu.vector_store %arg16[%swap3A_55, %swap3A_56], %add3A_54 {strides = array<i32>} : memref<128x1xf32, #tpu.memory_space<vmem>>, vector<128x1xf32>,
    %iota3A_58 = tpu.iota {dimensions = array<i32: 1>} : vector<128x1000xi32>
    %mul3A_59 = arith.constant 1000 : i32
    %mul3A_60 = arith.muli %arg0, %mul3A_59 : i32
    %add3A_61 = vector.broadcast %mul3A_60 : i32 to vector<128x1000xi32>
    %add3A_62 = arith.addi %iota3A_58, %add3A_61 : vector<128x1000xi32>
    %get3A_63 = arith.constant 0 : index
    %get3A_64 = arith.constant 0 : index
    %get3A_65 = vector.load %arg5[%get3A_63, %get3A_64] : memref<128x1xi32, #tpu.memory_space<vmem>>, vector<128x1xi32>
    %eq3A_66 = vector.broadcast %get3A_65 : vector<128x1xi32> to vector<128x1000xi32>
    %eq3A_67 = arith.cmpi eq, %eq3A_66, %add3A_62 : vector<128x1000xi32>
    %jit3A_68 = arith.constant 1.000000e+00 : f32
    %jit3A_69 = arith.constant 0.000000e+00 : f32
    %broadcast_in_dim3A_70 = vector.broadcast %jit3A_68 : f32 to vector<128x1000xf32>
    %broadcast_in_dim3A_71 = vector.broadcast %jit3A_69 : f32 to vector<128x1000xf32>
    %select_n3A_72 = arith.select %eq3A_67, %broadcast_in_dim3A_70, %broadcast_in_dim3A_71 : vector<128x1000xi1>, vector<128x1000xf32>
    %get3A_73 = arith.constant 0 : index
    %get3A_74 = arith.constant 0 : index
    %get3A_75 = vector.load %arg17[%get3A_73, %get3A_74] : memref<128x256xf32, #tpu.memory_space<vmem>>, vector<128x256xf32>
    %dot_general3A_76 = arith.constant dense<0.000000e+00> : vector<128x256xf32>
    %dot_general3A_77 = tpu.matmul %select_n3A_72, %add3A_30, %dot_general3A_76 {dimension_numbers = #tpu.dot_dimension_numbers<[1], [0], [0], [1], [0, 0, 1, 1], [], []>, transpose_lhs_hint = false} : vector<128x1000xf32>, vector<1000x256xf32>, vector<128x256xf32> -> vector<128x256xf32>
    %add3A_78 = arith.addf %get3A_75, %dot_general3A_77 : vector<128x256xf32>
    %swap3A_79 = arith.constant 0 : index
    %swap3A_80 = arith.constant 0 : index
    %swap3A_81 = vector.load %arg17[%swap3A_79, %swap3A_80] : memref<128x256xf32, #tpu.memory_space<vmem>>, vector<128x256xf32>
    tpu.vector_store %arg17[%swap3A_79, %swap3A_80], %add3A_78 {strides = array<i32>} : memref<128x256xf32, #tpu.memory_space<vmem>>, vector<128x256xf32>,
    %eq3A_82 = arith.constant 9 : i32
    %eq3A_83 = arith.cmpi eq, %arg0, %eq3A_82 : i32
    %convert_element_type3A_84 = arith.extui %eq3A_83 : i1 to i32
    %cond3A_85 = arith.constant 0 : i32
    %cond3A_86 = arith.cmpi ne, %convert_element_type3A_84, %cond3A_85 : i32
    scf.if %cond3A_86 {
      %get3A_87 = arith.constant 0 : index
      %get3A_88 = arith.constant 0 : index
      %get3A_89 = vector.load %arg6[%get3A_87, %get3A_88] : memref<256x256xf32, #tpu.memory_space<vmem>>, vector<256x256xf32>
      %get3A_90 = arith.constant 0 : index
      %get3A_91 = arith.constant 0 : index
      %get3A_92 = vector.load %arg7[%get3A_90, %get3A_91] : memref<256x256xf32, #tpu.memory_space<vmem>>, vector<256x256xf32>
      %dot_general3A_93 = arith.constant dense<0.000000e+00> : vector<256x256xf32>
      %dot_general3A_94 = tpu.matmul %get3A_89, %get3A_92, %dot_general3A_93 {dimension_numbers = #tpu.dot_dimension_numbers<[1], [0], [0], [1], [0, 0, 1, 1], [], []>, transpose_lhs_hint = false} : vector<256x256xf32>, vector<256x256xf32>, vector<256x256xf32> -> vector<256x256xf32>
      %get3A_95 = arith.constant 0 : index
      %get3A_96 = arith.constant 0 : index
      %get3A_97 = vector.load %arg8[%get3A_95, %get3A_96] : memref<1x256xf32, #tpu.memory_space<vmem>>, vector<1x256xf32>
      %get3A_98 = arith.constant 0 : index
      %get3A_99 = arith.constant 0 : index
      %get3A_100 = vector.load %arg7[%get3A_98, %get3A_99] : memref<256x256xf32, #tpu.memory_space<vmem>>, vector<256x256xf32>
      %dot_general3A_101 = arith.constant dense<0.000000e+00> : vector<1x256xf32>
      %dot_general3A_102 = tpu.matmul %get3A_97, %get3A_100, %dot_general3A_101 {dimension_numbers = #tpu.dot_dimension_numbers<[1], [0], [0], [1], [0, 0, 1, 1], [], []>, transpose_lhs_hint = false} : vector<1x256xf32>, vector<256x256xf32>, vector<1x256xf32> -> vector<1x256xf32>
      %get3A_103 = arith.constant 0 : index
      %get3A_104 = arith.constant 0 : index
      %get3A_105 = vector.load %arg9[%get3A_103, %get3A_104] : memref<1x256xf32, #tpu.memory_space<vmem>>, vector<1x256xf32>
      %add3A_106 = arith.addf %dot_general3A_102, %get3A_105 : vector<1x256xf32>
      %get3A_107 = arith.constant 0 : index
      %get3A_108 = arith.constant 0 : index
      %get3A_109 = vector.load %arg10[%get3A_107, %get3A_108] : memref<256x256xf32, #tpu.memory_space<vmem>>, vector<256x256xf32>
      %get3A_110 = arith.constant 0 : index
      %get3A_111 = arith.constant 0 : index
      %get3A_112 = vector.load %arg11[%get3A_110, %get3A_111] : memref<256x256xf32, #tpu.memory_space<vmem>>, vector<256x256xf32>
      %dot_general3A_113 = arith.constant dense<0.000000e+00> : vector<256x256xf32>
      %dot_general3A_114 = tpu.matmul %get3A_109, %get3A_112, %dot_general3A_113 {dimension_numbers = #tpu.dot_dimension_numbers<[1], [0], [0], [1], [0, 0, 1, 1], [], []>, transpose_lhs_hint = false} : vector<256x256xf32>, vector<256x256xf32>, vector<256x256xf32> -> vector<256x256xf32>
      %get3A_115 = arith.constant 0 : index
      %get3A_116 = arith.constant 0 : index
      %get3A_117 = vector.load %arg12[%get3A_115, %get3A_116] : memref<1x256xf32, #tpu.memory_space<vmem>>, vector<1x256xf32>
      %get3A_118 = arith.constant 0 : index
      %get3A_119 = arith.constant 0 : index
      %get3A_120 = vector.load %arg11[%get3A_118, %get3A_119] : memref<256x256xf32, #tpu.memory_space<vmem>>, vector<256x256xf32>
      %dot_general3A_121 = arith.constant dense<0.000000e+00> : vector<1x256xf32>
      %dot_general3A_122 = tpu.matmul %get3A_117, %get3A_120, %dot_general3A_121 {dimension_numbers = #tpu.dot_dimension_numbers<[1], [0], [0], [1], [0, 0, 1, 1], [], []>, transpose_lhs_hint = false} : vector<1x256xf32>, vector<256x256xf32>, vector<1x256xf32> -> vector<1x256xf32>
      %get3A_123 = arith.constant 0 : index
      %get3A_124 = arith.constant 0 : index
      %get3A_125 = vector.load %arg13[%get3A_123, %get3A_124] : memref<1x256xf32, #tpu.memory_space<vmem>>, vector<1x256xf32>
      %add3A_126 = arith.addf %dot_general3A_122, %get3A_125 : vector<1x256xf32>
      %get3A_127 = arith.constant 0 : index
      %get3A_128 = arith.constant 0 : index
      %get3A_129 = vector.load %arg16[%get3A_127, %get3A_128] : memref<128x1xf32, #tpu.memory_space<vmem>>, vector<128x1xf32>
      %max3A_130 = arith.constant 1.000000e+00 : f32
      %max3A_131 = vector.broadcast %max3A_130 : f32 to vector<128x1xf32>
      %max3A_132 = arith.maximumf %get3A_129, %max3A_131 : vector<128x1xf32>
      %get3A_133 = arith.constant 0 : index
      %get3A_134 = arith.constant 0 : index
      %get3A_135 = vector.load %arg15[%get3A_133, %get3A_134] : memref<128x256xf32, #tpu.memory_space<vmem>>, vector<128x256xf32>
      %dot_general3A_136 = arith.constant dense<0.000000e+00> : vector<128x256xf32>
      %dot_general3A_137 = tpu.matmul %get3A_135, %dot_general3A_94, %dot_general3A_136 {dimension_numbers = #tpu.dot_dimension_numbers<[1], [0], [0], [1], [0, 0, 1, 1], [], []>, transpose_lhs_hint = false} : vector<128x256xf32>, vector<256x256xf32>, vector<128x256xf32> -> vector<128x256xf32>
      %mul3A_138 = vector.broadcast %get3A_129 : vector<128x1xf32> to vector<128x256xf32>
      %mul3A_139 = vector.broadcast %add3A_106 : vector<1x256xf32> to vector<128x256xf32>
      %mul3A_140 = arith.mulf %mul3A_138, %mul3A_139 : vector<128x256xf32>
      %add3A_141 = arith.addf %dot_general3A_137, %mul3A_140 : vector<128x256xf32>
      %div3A = vector.broadcast %max3A_132 : vector<128x1xf32> to vector<128x256xf32>
      %div3A_142 = arith.divf %add3A_141, %div3A : vector<128x256xf32>
      %get3A_143 = arith.constant 0 : index
      %get3A_144 = arith.constant 0 : index
      %get3A_145 = vector.load %arg17[%get3A_143, %get3A_144] : memref<128x256xf32, #tpu.memory_space<vmem>>, vector<128x256xf32>
      %dot_general3A_146 = arith.constant dense<0.000000e+00> : vector<128x256xf32>
      %dot_general3A_147 = tpu.matmul %get3A_145, %dot_general3A_114, %dot_general3A_146 {dimension_numbers = #tpu.dot_dimension_numbers<[1], [0], [0], [1], [0, 0, 1, 1], [], []>, transpose_lhs_hint = false} : vector<128x256xf32>, vector<256x256xf32>, vector<128x256xf32> -> vector<128x256xf32>
      %add3A_148 = vector.broadcast %add3A_126 : vector<1x256xf32> to vector<128x256xf32>
      %add3A_149 = arith.addf %dot_general3A_147, %add3A_148 : vector<128x256xf32>
      %gt3A = arith.constant 0.000000e+00 : f32
      %gt3A_150 = vector.broadcast %gt3A : f32 to vector<128x1xf32>
      %gt3A_151 = arith.cmpf ogt, %get3A_129, %gt3A_150 : vector<128x1xf32>
      %jit3A_152 = arith.constant 1.000000e+00 : f32
      %jit3A_153 = arith.constant 0.000000e+00 : f32
      %broadcast_in_dim3A_154 = vector.broadcast %jit3A_152 : f32 to vector<128x1xf32>
      %broadcast_in_dim3A_155 = vector.broadcast %jit3A_153 : f32 to vector<128x1xf32>
      %select_n3A_156 = arith.select %gt3A_151, %broadcast_in_dim3A_154, %broadcast_in_dim3A_155 : vector<128x1xi1>, vector<128x1xf32>
      %mul3A_157 = vector.broadcast %select_n3A_156 : vector<128x1xf32> to vector<128x256xf32>
      %mul3A_158 = arith.mulf %add3A_149, %mul3A_157 : vector<128x256xf32>
      %concatenate3A_159 = tpu.concatenate %div3A_142, %mul3A_158 in 1 : vector<128x256xf32>, vector<128x256xf32> -> vector<128x512xf32>
      %swap3A_160 = arith.constant 0 : index
      %swap3A_161 = arith.constant 0 : index
      %swap3A_162 = vector.load %arg14[%swap3A_160, %swap3A_161] : memref<128x512xf32, #tpu.memory_space<vmem>>, vector<128x512xf32>
      tpu.vector_store %arg14[%swap3A_160, %swap3A_161], %concatenate3A_159 {strides = array<i32>} : memref<128x512xf32, #tpu.memory_space<vmem>>, vector<128x512xf32>,
    } else {
    }
    return
  }
  func.func @transform_0(%arg0: i32) -> (i32, i32, i32) {
    %c0_i32 = arith.constant 0 : i32
    %c0_i32_0 = arith.constant 0 : i32
    %c0_i32_1 = arith.constant 0 : i32
    return %c0_i32, %arg0, %c0_i32_0 : i32, i32, i32
  }
  func.func @transform_1(%arg0: i32) -> (i32, i32, i32) {
    %c0_i32 = arith.constant 0 : i32
    %c0_i32_0 = arith.constant 0 : i32
    %c0_i32_1 = arith.constant 0 : i32
    return %c0_i32, %arg0, %c0_i32_0 : i32, i32, i32
  }
  func.func @transform_2(%arg0: i32) -> (i32, i32) {
    %c0_i32 = arith.constant 0 : i32
    %c0_i32_0 = arith.constant 0 : i32
    %c0_i32_1 = arith.constant 0 : i32
    return %c0_i32, %c0_i32_0 : i32, i32
  }
  func.func @transform_3(%arg0: i32) -> (i32, i32, i32) {
    %c0_i32 = arith.constant 0 : i32
    %c0_i32_0 = arith.constant 0 : i32
    %c0_i32_1 = arith.constant 0 : i32
    return %arg0, %c0_i32, %c0_i32_0 : i32, i32, i32
  }
  func.func @transform_4(%arg0: i32) -> (i32, i32) {
    %c0_i32 = arith.constant 0 : i32
    %c0_i32_0 = arith.constant 0 : i32
    %c0_i32_1 = arith.constant 0 : i32
    return %c0_i32, %c0_i32_0 : i32, i32
  }
  func.func @transform_5(%arg0: i32) -> (i32, i32) {
    %c0_i32 = arith.constant 0 : i32
    %c0_i32_0 = arith.constant 0 : i32
    %c0_i32_1 = arith.constant 0 : i32
    return %c0_i32, %c0_i32_0 : i32, i32
  }
  func.func @transform_6(%arg0: i32) -> (i32, i32) {
    %c0_i32 = arith.constant 0 : i32
    %c0_i32_0 = arith.constant 0 : i32
    %c0_i32_1 = arith.constant 0 : i32
    return %c0_i32, %c0_i32_0 : i32, i32
  }
  func.func @transform_7(%arg0: i32) -> (i32, i32) {
    %c0_i32 = arith.constant 0 : i32
    %c0_i32_0 = arith.constant 0 : i32
    %c0_i32_1 = arith.constant 0 : i32
    return %c0_i32, %c0_i32_0 : i32, i32
  }
  func.func @transform_8(%arg0: i32) -> (i32, i32) {
    %c0_i32 = arith.constant 0 : i32
    %c0_i32_0 = arith.constant 0 : i32
    %c0_i32_1 = arith.constant 0 : i32
    return %c0_i32, %c0_i32_0 : i32, i32
  }
  func.func @transform_9(%arg0: i32) -> (i32, i32) {
    %c0_i32 = arith.constant 0 : i32
    %c0_i32_0 = arith.constant 0 : i32
    %c0_i32_1 = arith.constant 0 : i32
    return %c0_i32, %c0_i32_0 : i32, i32
  }
  func.func @transform_10(%arg0: i32) -> (i32, i32) {
    %c0_i32 = arith.constant 0 : i32
    %c0_i32_0 = arith.constant 0 : i32
    %c0_i32_1 = arith.constant 0 : i32
    return %c0_i32, %c0_i32_0 : i32, i32
  }
  func.func @transform_11(%arg0: i32) -> (i32, i32) {
    %c0_i32 = arith.constant 0 : i32
    %c0_i32_0 = arith.constant 0 : i32
    %c0_i32_1 = arith.constant 0 : i32
    return %c0_i32, %c0_i32_0 : i32, i32
  }
  func.func @transform_12(%arg0: i32) -> (i32, i32) {
    %c0_i32 = arith.constant 0 : i32
    %c0_i32_0 = arith.constant 0 : i32
    %c0_i32_1 = arith.constant 0 : i32
    return %c0_i32, %c0_i32_0 : i32, i32
  }
  func.func @transform_13(%arg0: i32) -> (i32, i32) {
    %c0_i32 = arith.constant 0 : i32
    %c0_i32_0 = arith.constant 0 : i32
    %c0_i32_1 = arith.constant 0 : i32
    return %c0_i32, %c0_i32_0 : i32, i32
  }
}

</mosaic_0001>

<sc_bundles>
// kernel: kernel.6.cloned.1.call-start
scs
__scs_entry_jumppad:
0x0: {  	(pc) =	sbr.rel $0x88, $3  }
0x1: {  	(tag) =	ssettag $0x0;
	lr =	simm.s32 $0x1  }
0x2: {  	[smem:$0x3F91] =	sst lr;
	_ =	strace $0xD0000000  }
0x3: {  	_ = 	snop  }
0x4: {  	_ = 	snop  }
0x5: {  	_ = 	snop  }
0x6: {  	_ = 	snop  }
0x7: {  	_ = 	snop  }
__scs_overlays_trampoline_lowered:
0x8: {  	[smem:$0x3FA0] =	sst s0  }
0x9: {  	[smem:$0x3FA1] =	sst s1  }
0xa: {  	[smem:$0x3FA2] =	sst s2  }
0xb: {  	[smem:$0x3FA3] =	sst s3  }
0xc: {  	[smem:$0x3FA4] =	sst s4  }
0xd: {  	[smem:$0x3FA5] =	sst s5  }
0xe: {  	[smem:$0x3FA6] =	sst s6  }
0xf: {  	[smem:$0x3FA7] =	sst s7  }
0x10: {  	[smem:$0x3FA8] =	sst s8  }
0x11: {  	[smem:$0x3FA9] =	sst s9;
	s0 =	simm.s32 @!p0 $0x0  }
0x12: {  	s1 =	sld [smem:$0x3F8F];
	s0 =	simm.s32 @p0 $0x1  }
0x13: {  	[smem:$0x3FAA] =	sst s0;
	s0 =	simm.s32 @!p1 $0x0  }
0x14: {  	s2 =	sld [smem:$0x3F8E];
	s0 =	simm.s32 @p1 $0x1  }
0x15: {  	[smem:$0x3FAB] =	sst s0;
	s0 =	simm.s32 @!p2 $0x0  }
0x16: {  	s3 =	sld [smem:$0x3FDB];
	s0 =	simm.s32 @p2 $0x1  }
0x17: {  	s4 =	simm.s32 $0x1BF5;
	[smem:$0x3FAD] =	sst s0  }
0x18: {  	s0 =	sld [smem:$0x3F90];
	_ =	swait.ge [sflag:s4], $0x0  }
0x19: {  	s7 =	sld [smem:$0x3F91]  }
0x1a: {  	s8 =	sadd.s32 $0xFFFFE003, lr  }
0x1b: {  	s9 =	sadd.s32 $0xFFFFFEF7, lr;
	s5 =	simm.s32 $0xFFFFFFFF;
	p2 =	slt.u32 s8, $0xFFFFF086  }
0x1c: {  	p1 =	slt.u32 s9, $0xF7A;
	s5 =	simm.s32 @!p2 $0x0  }
0x1d: {  	s5 =	simm.s32 @p1 $0x1;
	p0 =	seq.s32 s7, s2  }
0x1e: {  	s7 =	smul.u32 @!p0 $0xF7A, s2;
	p2 =	seq.s32 @!p0 s5, $0x0  }
0x1f: {  	s9 =	smul.u32 $0xF7A, s1;
	s8 =	simm.s32 @!p0 $0x1BF5;
	p2 =	por !p2, p0  }
0x20: {  	[sflag:s8] =	ssyncset.s32 @!p0 $0xFFFFF086;
	s6 =	sadd.s32 @!p0 s3, s7;
	s7 =	simm.s32 @!p0 $0x108  }
0x21: {  	s3 =	sadd.s32 s3, s9;
	s6 =	sadd.s32 @!p0 $0x88, s6;
	s7 =	simm.s32 @p2 $0x1082  }
0x22: {  	[simem:s7], [sflag:s8] =	dma.local @!p0 [hbm:s6], $0xF7A  }
0x23: {  	s9 =	sor.u32 $0xD0000000, s2;
	s6 =	simm.s32 $0x108;
	_ =	swait.ge @!p0 [sflag:s8], $0x0  }
0x24: {  	s3 =	sadd.s32 $0x88, s3;
	s6 =	simm.s32 @!p1 $0x1082;
	[sflag:s4] =	ssyncset.s32 $0xFFFFF086  }
0x25: {  	[simem:s6], [sflag:s4] =	dma.local [hbm:s3], $0xF7A  }
0x26: {  	[smem:$0x3F91] =	sst s1;
	(tag) =	ssettag s2;
	_ =	strace s9  }
0x27: {  	s1 =	sld [smem:$0x3FA1]  }
0x28: {  	s2 =	sld [smem:$0x3FA2]  }
0x29: {  	s4 =	sld [smem:$0x3FA4]  }
0x2a: {  	p0 =	seq.s32 s5, $0x0;
	s5 =	sld [smem:$0x3FA5]  }
0x2b: {  	s6 =	sld [smem:$0x3FA6]  }
0x2c: {  	s7 =	sld [smem:$0x3FA7]  }
0x2d: {  	s3 =	simm.s32 $0x108;
	s8 =	sld [smem:$0x3FA8]  }
0x2e: {  	s3 =	simm.s32 @!p0 $0x1082;
	s9 =	sld [smem:$0x3FA9]  }
0x2f: {  	lr =	sadd.s32 s0, s3;
	s0 =	sld [smem:$0x3FA0]  }
0x30: {  	s3 =	sld [smem:$0x3FA3]  }
0x31: {  	[smem:$0x3FAC] =	sst s10  }
0x32: {  	s10 =	sld [smem:$0x3FAA];
	_ =	sdelay $0x3  }
0x33: {  	p0 =	seq.s32 s10, $0x1;
	s10 =	sld [smem:$0x3FAC];
	_ =	sdelay $0x3  }
0x34: {  	[smem:$0x3FAC] =	sst s10  }
0x35: {  	s10 =	sld [smem:$0x3FAB];
	_ =	sdelay $0x3  }
0x36: {  	p1 =	seq.s32 s10, $0x1;
	s10 =	sld [smem:$0x3FAC];
	_ =	sdelay $0x3  }
0x37: {  	[smem:$0x3FAC] =	sst s10  }
0x38: {  	s10 =	sld [smem:$0x3FAD]  }
0x39: {  	_ = 	snop;
	(pc) =	sbr.ind lr, $3  }
0x3a: {  	_ = 	snop  }
0x3b: {  	_ = 	snop  }
0x3c: {  	p2 =	seq.s32 s10, $0x1;
	s10 =	sld [smem:$0x3FAC]  }
0x3d: {  	_ =	shalt  }
0x3e: {  	_ =	shalt  }
0x3f: {  	_ =	shalt  }
0x40: {  	_ =	shalt  }
0x41: {  	_ =	shalt  }
0x42: {  	_ =	shalt  }
0x43: {  	_ =	shalt  }
0x44: {  	_ =	shalt  }
0x45: {  	_ =	shalt  }
0x46: {  	_ =	shalt  }
0x47: {  	_ =	shalt  }
0x48: {  	_ =	shalt  }
0x49: {  	_ =	shalt  }
0x4a: {  	_ =	shalt  }
0x4b: {  	_ =	shalt  }
0x4c: {  	_ =	shalt  }
0x4d: {  	_ =	shalt  }
0x4e: {  	_ =	shalt  }
0x4f: {  	_ =	shalt  }
0x50: {  	_ =	shalt  }
0x51: {  	_ =	shalt  }
0x52: {  	_ =	shalt  }
0x53: {  	_ =	shalt  }
0x54: {  	_ =	shalt  }
0x55: {  	_ =	shalt  }
0x56: {  	_ =	shalt  }
0x57: {  	_ =	shalt  }
0x58: {  	_ =	shalt  }
0x59: {  	_ =	shalt  }
0x5a: {  	_ =	shalt  }
0x5b: {  	_ =	shalt  }
0x5c: {  	_ =	shalt  }
0x5d: {  	_ =	shalt  }
0x5e: {  	_ =	shalt  }
0x5f: {  	_ =	shalt  }
0x60: {  	_ =	shalt  }
0x61: {  	_ =	shalt  }
0x62: {  	_ =	shalt  }
0x63: {  	_ =	shalt  }
0x64: {  	_ =	shalt  }
0x65: {  	_ =	shalt  }
0x66: {  	_ =	shalt  }
0x67: {  	_ =	shalt  }
0x68: {  	_ =	shalt  }
0x69: {  	_ =	shalt  }
0x6a: {  	_ =	shalt  }
0x6b: {  	_ =	shalt  }
0x6c: {  	_ =	shalt  }
0x6d: {  	_ =	shalt  }
0x6e: {  	_ =	shalt  }
0x6f: {  	_ =	shalt  }
0x70: {  	_ =	shalt  }
0x71: {  	_ =	shalt  }
0x72: {  	_ =	shalt  }
0x73: {  	_ =	shalt  }
0x74: {  	_ =	shalt  }
0x75: {  	_ =	shalt  }
0x76: {  	_ =	shalt  }
0x77: {  	_ =	shalt  }
0x78: {  	_ =	shalt  }
0x79: {  	_ =	shalt  }
0x7a: {  	_ =	shalt  }
0x7b: {  	_ =	shalt  }
0x7c: {  	_ =	shalt  }
0x7d: {  	_ =	shalt  }
0x7e: {  	_ =	shalt  }
0x7f: {  	_ =	shalt  }
0x80: {  	_ =	shalt  }
0x81: {  	_ =	shalt  }
0x82: {  	_ =	shalt  }
0x83: {  	_ =	shalt  }
0x84: {  	_ =	shalt  }
0x85: {  	_ =	shalt  }
0x86: {  	_ =	shalt  }
0x87: {  	_ =	shalt  }
.Lfunc_end0:
.L_simem_size_0:
called_computation_lowered:
.L_overlay_start_0:
0x88: {  	s2 =	sld [smem:$0x3FD9]  }
0x89: {  	s3 =	sld [smem:$0x3FFE];
	_ =	sdelay $0x1  }
0x8a: {  	s1 =	srdreg.scid  }
0x8b: {  	s0 =	sand.u32 $0x1, s1  }
0x8c: {  	s17 =	sshll.u32 s0, $0xA;
	s2 =	sadd.s32 s3, s2  }
0x8d: {  	s2 =	sadd.s32 s2, s17  }
0x8e: {  	[smem:$0x3FB8] =	sst s2  }
0x8f: {  	_ = 	snop  }
0x90: {  	s2 =	sld [smem:$0x3FD0];
	(tm) =	ssettm $0x1  }
0x91: {  	s18 =	sld [smem:$0x3FFB];
	_ =	sdelay $0x3  }
0x92: {  	_ =	strace s18  }
0x93: {  	s3 =	sld [smem:$0x3FFC];
	_ =	sdelay $0x3  }
0x94: {  	_ =	strace s3  }
0x95: {  	s3 =	sld [smem:$0x3FFD];
	_ =	sdelay $0x3  }
0x96: {  	_ =	strace s3  }
0x97: {  	_ =	strace $0x8FFFFFFF  }
0x98: {  	s19 =	sld [smem:$0x3FDB];
	_ =	sdelay $0x1  }
0x99: {  	s4 =	simm.s32 $_scs_section_size  }
0x9a: {  	s5 =	simm.s32 $_size__tile_overlayer_lowered;
	s6 =	simm.s32 $_tile_overlayer_lowered  }
0x9b: {  	s22 =	simm.s32 $0x1BFF;
	s21 =	sshll.u32 s6, $0x1;
	s3 =	sadd.s32 s4, s19  }
0x9c: {  	s7 =	simm.s32 $0x0;
	s20 =	sshll.u32 s5, $0x1;
	s5 =	sadd.s32 s21, s3  }
0x9d: {  	[timem:s7], [sflag:s22] =	dma.local [hbm:s5], s20  }
0x9e: {  	_ =	swait.ge [sflag:s22], s20  }
0x9f: {  	s4 =	ssub.s32 $0x0, s20;
	[sflag:s22] =	ssyncset.done $0x0  }
0xa0: {  	[sflag:s22] =	ssyncadd.s32 s4;
	_ =	sdelay $0x1  }
0xa1: {  	s23 =	simm.s32 $0x1B8B  }
0xa2: {  	_ =	swait.ge [sflag:s23], $0x1  }
0xa3: {  	[sflag:s23] =	ssyncset.done $0x0  }
0xa4: {  	s25 =	simm.s32 $0x1B8E;
	s24 =	sld [smem:$0x3FFE];
	[sflag:s23] =	ssyncadd.s32 $0xFFFFFFFF  }
0xa5: {  	s26 =	simm.s32 $execute0_lowered;
	[smem:$0x3FD2] =	sst s25  }
0xa6: {  	s5 =	sshll.u32 s26, $0x1;
	_ =	strace $0x80000046;
	[dreg:$0x1] =	wrdreg $0xFFFFFFFF  }
0xa7: {  	s28 =	simm.s32 $_size_execute0_lowered;
	s3 =	sadd.s32 s3, s5;
	[dreg:$0x0] =	wrdreg $0x0  }
0xa8: {  	s5 =	sshll.u32 s28, $0x1;
	[dreg:$0x2] =	wrdreg s3  }
0xa9: {  	[dreg:$0x3] =	wrdreg s5  }
0xaa: {  	[dreg:$0x4] =	wrdreg $0xC0  }
0xab: {  	_ =	task [dreg:s7], $0x5FFFF  }
0xac: {  	[dreg:$0x1] =	wrdreg $0xFFFFFFFF  }
0xad: {  	[dreg:$0x0] =	wrdreg $0x60  }
0xae: {  	[dreg:$0x2] =	wrdreg s24  }
0xaf: {  	[dreg:$0x3] =	wrdreg s2  }
0xb0: {  	[dreg:$0x4] =	wrdreg $0x54000  }
0xb1: {  	[dreg:$0x5] =	wrdreg $0x9  }
0xb2: {  	_ =	task.clear_ibuf [dreg:s7], $0x6FFFF;
	_ =	strace $0x90000046  }
0xb3: {  	s29 =	simm.s32 $0x9;
	_ =	strace $0x80000048  }
0xb4: {  	_ =	swait.ge [sflag:s29], $0x1  }
0xb5: {  	[sflag:s29] =	ssyncadd.s32 $0xFFFFFFFF  }
0xb6: {  	_ =	strace $0x90000048  }
0xb7: {  	_ =	sfence  }
0xb8: {  	s30 =	sld [smem:$0x0];
	_ =	sdelay $0x2  }
0xb9: {  	s31 =	sshll.u32 s1, $0xD;
	s1 =	sshrl.u32 s1, $0x2  }
0xba: {  	s3 =	sand.u32 $0x4000, s31;
	s1 =	sadd.s32 s1, s30  }
0xbb: {  	s0 =	sor.u32 s3, s0;
	s1 =	sshll.u32 s1, $0x11  }
0xbc: {  	s0 =	sor.u32 s1, s0  }
0xbd: {  	s0 =	sadd.s32 $0x8F2B, s0  }
0xbe: {  	[sflag:s0] =	ssyncadd.remote.s32 $0x1  }
0xbf: {  	_ =	sfence.sel $0xFFFF  }
0xc0: {  	[dreg:$0x0] =	wrdreg $0xFFFFFFFF;
	(pc) =	sbr.abs _section_cstart, $3  }
0xc1: {  	[dreg:$0x1] =	wrdreg $0xFFFFFFFF  }
0xc2: {  	_ =	task.clear_ibuf [dreg:s7], $0x2FFFF;
	_ =	strace $0x9FFFFFFF  }
0xc3: {  	(tm) =	ssettm $0x7FFFFFFF  }
tec
execute0_lowered:
.L_overlay_start_1:
0x0: {  	(tag) =	ssettag $0x1  }
0x1: {  	s0 =	srdreg.scid;
	s1 =	rddreg [dreg:$0x0]  }
0x2: {  	s9 =	stileid.u32;
	s3 =	rddreg [dreg:$0x2]  }
0x3: {  	s4 =	simm.s32 $0x0;
	s11 =	simm.s32 $0x2;
	s12 =	simm.s32 $0x1400  }
0x4: {  	s13 =	simm.s32 $0x80;
	s15 =	simm.s32 $0xB80;
	s16 =	simm.s32 $0xC00  }
0x5: {  	s17 =	simm.s32 $0xC80;
	s18 =	simm.s32 $0xD00;
	s19 =	simm.s32 $0xD80  }
0x6: {  	s20 =	simm.s32 $0xE00;
	s21 =	simm.s32 $0xE80;
	s22 =	simm.s32 $0xF00  }
0x7: {  	s23 =	simm.s32 $0xF80;
	s28 =	simm.s32 $0x1180;
	s29 =	simm.s32 $0x1200  }
0x8: {  	s30 =	simm.s32 $0x1280;
	s31 =	simm.s32 $0x1300;
	s5 =	smul.u32 $0x2800, s9  }
0x9: {  	s0 =	sand.u32 $0x1, s0;
	[smem:$0x7FF] =	sst s4;
	s7 =	smul.u32 $0x50000, s9  }
0xa: {  	s26 =	sshll.u32 s9, $0x6;
	s2 =	sshll.u32 s0, $0x4;
	_ =	strace $0x80000047  }
0xb: {  	s6 =	smul.u32 $0x28000, s0;
	s0 =	ssub.s32 $0x2, s0;
	s2 =	sor.u32 s9, s2  }
0xc: {  	s8 =	sadd.s32 s5, s1;
	s24 =	sshrl.u32 s0, $0x1;
	s25 =	sshrl.u32 s7, $0x2  }
0xd: {  	s2 =	smul.u32 $0x280, s2;
	s5 =	sadd.s32 s5, s6;
	s0 =	ssub.s32 s0, s24  }
0xe: {  	s10 =	sadd.s32 s25, s3;
	s6 =	sor.u32 $0x1C02, s26;
	s24 =	simm.s32 $0x1000  }
0xf: {  	s25 =	simm.s32 $0x1080;
	s26 =	simm.s32 $0x1100;
	s9 =	smax.u32 s0, $0x1  }
0x10: {  	s10 =	sshrl.u32 s10, $0x3;
	s0 =	simm.s32 $0x1;
	s2 =	sadd.s32 s2, s1  }
0x11: {  	s1 =	sadd.s32 s5, s1;
	s5 =	sadd.s32 $0x7400, s8;
	s7 =	sadd.s32 $0x2400, s2  }
0x12: {  	s8 =	sadd.s32 $0x2F400, s1;
	s1 =	simm.s32 $0x1380;
	s2 =	simm.s32 $0x0  }
.LBB2_1:
0x13: {  	[spmem:s10], [sflag:s6] =	dma.local [hbm:s5], $0x2800  }
0x14: {  	_ =	swait.ge [sflag:s11], $0x2800  }
0x15: {  	[sflag:s11] =	ssyncset.done $0x0  }
0x16: {  	[sflag:s11] =	ssyncadd.s32 $0xFFFFD800  }
0x17: {  	s14 =	rddreg [dreg:$0x1]  }
0x18: {  	[tilespmem:s12], [sflag:$0x2] =	stream.linear.gather [hbm4b:s14+s4], $0x4000, $0x38;
	[tilespmem:$0x19400] =	vst v63  }
0x19: {  	_ =	swait.ge [sflag:s11], $0x4000  }
0x1a: {  	[sflag:s11] =	ssyncset.done $0x0  }
0x1b: {  	[sflag:s11] =	ssyncadd.s32 $0xFFFFC000  }
0x1c: {  	[tilespmem:s4], [sflag:$0x2] =	stream.linear.gather [hbm4b:s7+s4], $0x1400, $0x38;
	[tilespmem:$0x19400] =	vst v63  }
0x1d: {  	_ =	swait.ge [sflag:s11], $0x1400  }
0x1e: {  	[sflag:s11] =	ssyncset.done $0x0  }
0x1f: {  	[sflag:s11] =	ssyncadd.s32 $0xFFFFEC00  }
0x20: {  	[bflag:$0x0] =	sbarrier.arrive $0xFFFF  }
0x21: {  	[spmem:s3] =	stream.indirect.scatter.add.f32 [tilespmem:s12], [sflag:$0x1], $0x80, s4, s13, $0xb8;
	[tilespmem:$0x19400] =	vst v63  }
0x22: {  	_ = 	snop  }
0x23: {  	[spmem:s3] =	stream.indirect.scatter.add.f32 [tilespmem:s12], [sflag:$0x1], $0x80, s13, s13, $0xb8;
	[tilespmem:$0x19400] =	vst v63  }
0x24: {  	s14 =	simm.s32 $0x100  }
0x25: {  	[spmem:s3] =	stream.indirect.scatter.add.f32 [tilespmem:s12], [sflag:$0x1], $0x80, s14, s13, $0xb8;
	[tilespmem:$0x19400] =	vst v63  }
0x26: {  	s14 =	simm.s32 $0x180  }
0x27: {  	[spmem:s3] =	stream.indirect.scatter.add.f32 [tilespmem:s12], [sflag:$0x1], $0x80, s14, s13, $0xb8;
	[tilespmem:$0x19400] =	vst v63  }
0x28: {  	s14 =	simm.s32 $0x200  }
0x29: {  	[spmem:s3] =	stream.indirect.scatter.add.f32 [tilespmem:s12], [sflag:$0x1], $0x80, s14, s13, $0xb8;
	[tilespmem:$0x19400] =	vst v63  }
0x2a: {  	s14 =	simm.s32 $0x280  }
0x2b: {  	[spmem:s3] =	stream.indirect.scatter.add.f32 [tilespmem:s12], [sflag:$0x1], $0x80, s14, s13, $0xb8;
	[tilespmem:$0x19400] =	vst v63  }
0x2c: {  	s14 =	simm.s32 $0x300  }
0x2d: {  	[spmem:s3] =	stream.indirect.scatter.add.f32 [tilespmem:s12], [sflag:$0x1], $0x80, s14, s13, $0xb8;
	[tilespmem:$0x19400] =	vst v63  }
0x2e: {  	s14 =	simm.s32 $0x380  }
0x2f: {  	[spmem:s3] =	stream.indirect.scatter.add.f32 [tilespmem:s12], [sflag:$0x1], $0x80, s14, s13, $0xb8;
	[tilespmem:$0x19400] =	vst v63  }
0x30: {  	s14 =	simm.s32 $0x400  }
0x31: {  	[spmem:s3] =	stream.indirect.scatter.add.f32 [tilespmem:s12], [sflag:$0x1], $0x80, s14, s13, $0xb8;
	[tilespmem:$0x19400] =	vst v63  }
0x32: {  	s14 =	simm.s32 $0x480  }
0x33: {  	[spmem:s3] =	stream.indirect.scatter.add.f32 [tilespmem:s12], [sflag:$0x1], $0x80, s14, s13, $0xb8;
	[tilespmem:$0x19400] =	vst v63  }
0x34: {  	s14 =	simm.s32 $0x500  }
0x35: {  	[spmem:s3] =	stream.indirect.scatter.add.f32 [tilespmem:s12], [sflag:$0x1], $0x80, s14, s13, $0xb8;
	[tilespmem:$0x19400] =	vst v63  }
0x36: {  	s14 =	simm.s32 $0x580  }
0x37: {  	[spmem:s3] =	stream.indirect.scatter.add.f32 [tilespmem:s12], [sflag:$0x1], $0x80, s14, s13, $0xb8;
	[tilespmem:$0x19400] =	vst v63  }
0x38: {  	s14 =	simm.s32 $0x600  }
0x39: {  	[spmem:s3] =	stream.indirect.scatter.add.f32 [tilespmem:s12], [sflag:$0x1], $0x80, s14, s13, $0xb8;
	[tilespmem:$0x19400] =	vst v63  }
0x3a: {  	s14 =	simm.s32 $0x680  }
0x3b: {  	[spmem:s3] =	stream.indirect.scatter.add.f32 [tilespmem:s12], [sflag:$0x1], $0x80, s14, s13, $0xb8;
	[tilespmem:$0x19400] =	vst v63  }
0x3c: {  	s14 =	simm.s32 $0x700  }
0x3d: {  	[spmem:s3] =	stream.indirect.scatter.add.f32 [tilespmem:s12], [sflag:$0x1], $0x80, s14, s13, $0xb8;
	[tilespmem:$0x19400] =	vst v63  }
0x3e: {  	s14 =	simm.s32 $0x780  }
0x3f: {  	[spmem:s3] =	stream.indirect.scatter.add.f32 [tilespmem:s12], [sflag:$0x1], $0x80, s14, s13, $0xb8;
	[tilespmem:$0x19400] =	vst v63  }
0x40: {  	s14 =	simm.s32 $0x800  }
0x41: {  	[spmem:s3] =	stream.indirect.scatter.add.f32 [tilespmem:s12], [sflag:$0x1], $0x80, s14, s13, $0xb8;
	[tilespmem:$0x19400] =	vst v63  }
0x42: {  	s14 =	simm.s32 $0x880  }
0x43: {  	[spmem:s3] =	stream.indirect.scatter.add.f32 [tilespmem:s12], [sflag:$0x1], $0x80, s14, s13, $0xb8;
	[tilespmem:$0x19400] =	vst v63  }
0x44: {  	s14 =	simm.s32 $0x900  }
0x45: {  	[spmem:s3] =	stream.indirect.scatter.add.f32 [tilespmem:s12], [sflag:$0x1], $0x80, s14, s13, $0xb8;
	[tilespmem:$0x19400] =	vst v63  }
0x46: {  	s14 =	simm.s32 $0x980  }
0x47: {  	[spmem:s3] =	stream.indirect.scatter.add.f32 [tilespmem:s12], [sflag:$0x1], $0x80, s14, s13, $0xb8;
	[tilespmem:$0x19400] =	vst v63  }
0x48: {  	s14 =	simm.s32 $0xA00  }
0x49: {  	[spmem:s3] =	stream.indirect.scatter.add.f32 [tilespmem:s12], [sflag:$0x1], $0x80, s14, s13, $0xb8;
	[tilespmem:$0x19400] =	vst v63  }
0x4a: {  	s14 =	simm.s32 $0xA80  }
0x4b: {  	[spmem:s3] =	stream.indirect.scatter.add.f32 [tilespmem:s12], [sflag:$0x1], $0x80, s14, s13, $0xb8;
	[tilespmem:$0x19400] =	vst v63  }
0x4c: {  	s14 =	simm.s32 $0xB00  }
0x4d: {  	[spmem:s3] =	stream.indirect.scatter.add.f32 [tilespmem:s12], [sflag:$0x1], $0x80, s14, s13, $0xb8;
	[tilespmem:$0x19400] =	vst v63  }
0x4e: {  	_ = 	snop  }
0x4f: {  	[spmem:s3] =	stream.indirect.scatter.add.f32 [tilespmem:s12], [sflag:$0x1], $0x80, s15, s13, $0xb8;
	[tilespmem:$0x19400] =	vst v63  }
0x50: {  	_ = 	snop  }
0x51: {  	[spmem:s3] =	stream.indirect.scatter.add.f32 [tilespmem:s12], [sflag:$0x1], $0x80, s16, s13, $0xb8;
	[tilespmem:$0x19400] =	vst v63  }
0x52: {  	_ = 	snop  }
0x53: {  	[spmem:s3] =	stream.indirect.scatter.add.f32 [tilespmem:s12], [sflag:$0x1], $0x80, s17, s13, $0xb8;
	[tilespmem:$0x19400] =	vst v63  }
0x54: {  	_ = 	snop  }
0x55: {  	[spmem:s3] =	stream.indirect.scatter.add.f32 [tilespmem:s12], [sflag:$0x1], $0x80, s18, s13, $0xb8;
	[tilespmem:$0x19400] =	vst v63  }
0x56: {  	_ = 	snop  }
0x57: {  	[spmem:s3] =	stream.indirect.scatter.add.f32 [tilespmem:s12], [sflag:$0x1], $0x80, s19, s13, $0xb8;
	[tilespmem:$0x19400] =	vst v63  }
0x58: {  	_ = 	snop  }
0x59: {  	[spmem:s3] =	stream.indirect.scatter.add.f32 [tilespmem:s12], [sflag:$0x1], $0x80, s20, s13, $0xb8;
	[tilespmem:$0x19400] =	vst v63  }
0x5a: {  	_ = 	snop  }
0x5b: {  	[spmem:s3] =	stream.indirect.scatter.add.f32 [tilespmem:s12], [sflag:$0x1], $0x80, s21, s13, $0xb8;
	[tilespmem:$0x19400] =	vst v63  }
0x5c: {  	_ = 	snop  }
0x5d: {  	[spmem:s3] =	stream.indirect.scatter.add.f32 [tilespmem:s12], [sflag:$0x1], $0x80, s22, s13, $0xb8;
	[tilespmem:$0x19400] =	vst v63  }
0x5e: {  	_ = 	snop  }
0x5f: {  	[spmem:s3] =	stream.indirect.scatter.add.f32 [tilespmem:s12], [sflag:$0x1], $0x80, s23, s13, $0xb8;
	[tilespmem:$0x19400] =	vst v63  }
0x60: {  	_ = 	snop  }
0x61: {  	[spmem:s3] =	stream.indirect.scatter.add.f32 [tilespmem:s12], [sflag:$0x1], $0x80, s24, s13, $0xb8;
	[tilespmem:$0x19400] =	vst v63  }
0x62: {  	_ = 	snop  }
0x63: {  	[spmem:s3] =	stream.indirect.scatter.add.f32 [tilespmem:s12], [sflag:$0x1], $0x80, s25, s13, $0xb8;
	[tilespmem:$0x19400] =	vst v63  }
0x64: {  	_ = 	snop  }
0x65: {  	[spmem:s3] =	stream.indirect.scatter.add.f32 [tilespmem:s12], [sflag:$0x1], $0x80, s26, s13, $0xb8;
	[tilespmem:$0x19400] =	vst v63  }
0x66: {  	_ = 	snop  }
0x67: {  	[spmem:s3] =	stream.indirect.scatter.add.f32 [tilespmem:s12], [sflag:$0x1], $0x80, s28, s13, $0xb8;
	[tilespmem:$0x19400] =	vst v63  }
0x68: {  	_ = 	snop  }
0x69: {  	[spmem:s3] =	stream.indirect.scatter.add.f32 [tilespmem:s12], [sflag:$0x1], $0x80, s29, s13, $0xb8;
	[tilespmem:$0x19400] =	vst v63  }
0x6a: {  	_ = 	snop  }
0x6b: {  	[spmem:s3] =	stream.indirect.scatter.add.f32 [tilespmem:s12], [sflag:$0x1], $0x80, s30, s13, $0xb8;
	[tilespmem:$0x19400] =	vst v63  }
0x6c: {  	_ = 	snop  }
0x6d: {  	[spmem:s3] =	stream.indirect.scatter.add.f32 [tilespmem:s12], [sflag:$0x1], $0x80, s31, s13, $0xb8;
	[tilespmem:$0x19400] =	vst v63  }
0x6e: {  	_ = 	snop  }
0x6f: {  	[spmem:s3] =	stream.indirect.scatter.add.f32 [tilespmem:s12], [sflag:$0x1], $0x80, s1, s13, $0xb8;
	[tilespmem:$0x19400] =	vst v63  }
0x70: {  	_ =	swait.ge [sflag:s0], $0x4000  }
0x71: {  	s14 =	simm.s32 $0x27;
	[sflag:s0] =	ssyncset.done $0x0  }
.LBB2_2:
0x72: {  	p0 =	sne.s32 s14, $0x1;
	s14 =	sadd.s32 $0xFFFFFFFF, s14;
	[sflag:s0] =	ssyncadd.s32 $0xFFFFC000  }
.Ltmp0:
0x73: {  	(pc) =	sbr.rel @p0 .LBB2_2-.Ltmp0, $3  }
0x74: {  	_ =	sdelay $0x1  }
0x75: {  	_ =	swait.ge [sflag:s0], $0x4000  }
0x76: {  	[sflag:s0] =	ssyncset.done $0x0  }
0x77: {  	s2 =	sadd.s32 $0x1, s2  }
0x78: {  	[sflag:s0] =	ssyncadd.s32 $0xFFFFC000;
	p0 =	sne.s32 s2, s9  }
.Ltmp1:
0x79: {  	[bflag:$0x0] =	sbarrier.arrive $0xFFFF;
	(pc) =	sbr.rel @p0 .LBB2_1-.Ltmp1, $4  }
0x7a: {  	[hbm:s8], [sflag:s6] =	dma.local [spmem:s10], $0x2800  }
0x7b: {  	_ =	swait.ge [sflag:s11], $0x2800  }
0x7c: {  	[sflag:s11] =	ssyncset.done $0x0  }
0x7d: {  	[sflag:s11] =	ssyncadd.s32 $0xFFFFD800  }
0x7e: {  	_ =	sfence.sel $0x180000  }
0x7f: {  	[bflag:$0x0] =	sbarrier.arrive $0xFFFF  }
0x80: {  	_ =	strace $0x90000047  }
0x81: {  	s0 =	stileid.u32;
	[bflag:$0x2] =	sbarrier.arrive $0xFFFF  }
0x82: {  	p0 =	sne.s32 s0, $0x0;
	s0 =	rddreg [dreg:$0x3]  }
0x83: {  	s0 =	sadd.s32 @!p0 $0x100000, s0  }
0x84: {  	[sflag:s0] =	ssyncadd.tile.s32 @!p0 $0x1;
	_ =	shalt  }
.Lfunc_end2:
_tile_overlayer_lowered:
.L_overlay_start_2:
0x85: {  	(tag) =	ssettag $0x2  }
0x86: {  	s0 =	rddreg [dreg:$0x0];
	s2 =	stileid.u32  }
0x87: {  	s1 =	rddreg [dreg:$0x1];
	p0 =	sne.s32 s2, $0x0  }
0x88: {  	s3 =	rddreg [dreg:$0x2];
	[bflag:$0x3] =	sbarrier.arrive $0xFFFF;
	s2 =	simm.s32 @!p0 $0x1C02  }
0x89: {  	[timem:s3], [sflag:s2] =	dma.local @!p0 [hbm:s0], s1  }
0x8a: {  	s0 =	simm.s32 @!p0 $0x2  }
0x8b: {  	_ =	swait.ge @!p0 [sflag:s0], s1  }
0x8c: {  	s1 =	ssub.s32 @!p0 $0x0, s1;
	[sflag:s0] =	ssyncset.done @!p0 $0x0  }
0x8d: {  	[sflag:s0] =	ssyncadd.s32 @!p0 s1  }
0x8e: {  	[bflag:$0x3] =	sbarrier.arrive $0xFFFF  }
0x8f: {  	_ =	shalt  }

// kernel: kernel.9.cloned.1.call-start
scs
__scs_entry_jumppad:
0x0: {  	(pc) =	sbr.rel $0x88, $3  }
0x1: {  	(tag) =	ssettag $0x0;
	lr =	simm.s32 $0x1  }
0x2: {  	[smem:$0x3F91] =	sst lr;
	_ =	strace $0xD0000000  }
0x3: {  	_ = 	snop  }
0x4: {  	_ = 	snop  }
0x5: {  	_ = 	snop  }
0x6: {  	_ = 	snop  }
0x7: {  	_ = 	snop  }
__scs_overlays_trampoline_lowered:
0x8: {  	[smem:$0x3FA0] =	sst s0  }
0x9: {  	[smem:$0x3FA1] =	sst s1  }
0xa: {  	[smem:$0x3FA2] =	sst s2  }
0xb: {  	[smem:$0x3FA3] =	sst s3  }
0xc: {  	[smem:$0x3FA4] =	sst s4  }
0xd: {  	[smem:$0x3FA5] =	sst s5  }
0xe: {  	[smem:$0x3FA6] =	sst s6  }
0xf: {  	[smem:$0x3FA7] =	sst s7  }
0x10: {  	[smem:$0x3FA8] =	sst s8  }
0x11: {  	[smem:$0x3FA9] =	sst s9;
	s0 =	simm.s32 @!p0 $0x0  }
0x12: {  	s1 =	sld [smem:$0x3F8F];
	s0 =	simm.s32 @p0 $0x1  }
0x13: {  	[smem:$0x3FAA] =	sst s0;
	s0 =	simm.s32 @!p1 $0x0  }
0x14: {  	s2 =	sld [smem:$0x3F8E];
	s0 =	simm.s32 @p1 $0x1  }
0x15: {  	[smem:$0x3FAB] =	sst s0;
	s0 =	simm.s32 @!p2 $0x0  }
0x16: {  	s3 =	sld [smem:$0x3FDB];
	s0 =	simm.s32 @p2 $0x1  }
0x17: {  	s4 =	simm.s32 $0x1BF5;
	[smem:$0x3FAD] =	sst s0  }
0x18: {  	s0 =	sld [smem:$0x3F90];
	_ =	swait.ge [sflag:s4], $0x0  }
0x19: {  	s7 =	sld [smem:$0x3F91]  }
0x1a: {  	s8 =	sadd.s32 $0xFFFFE003, lr  }
0x1b: {  	s9 =	sadd.s32 $0xFFFFFEF7, lr;
	s5 =	simm.s32 $0xFFFFFFFF;
	p2 =	slt.u32 s8, $0xFFFFF086  }
0x1c: {  	p1 =	slt.u32 s9, $0xF7A;
	s5 =	simm.s32 @!p2 $0x0  }
0x1d: {  	s5 =	simm.s32 @p1 $0x1;
	p0 =	seq.s32 s7, s2  }
0x1e: {  	s7 =	smul.u32 @!p0 $0xF7A, s2;
	p2 =	seq.s32 @!p0 s5, $0x0  }
0x1f: {  	s9 =	smul.u32 $0xF7A, s1;
	s8 =	simm.s32 @!p0 $0x1BF5;
	p2 =	por !p2, p0  }
0x20: {  	[sflag:s8] =	ssyncset.s32 @!p0 $0xFFFFF086;
	s6 =	sadd.s32 @!p0 s3, s7;
	s7 =	simm.s32 @!p0 $0x108  }
0x21: {  	s3 =	sadd.s32 s3, s9;
	s6 =	sadd.s32 @!p0 $0x88, s6;
	s7 =	simm.s32 @p2 $0x1082  }
0x22: {  	[simem:s7], [sflag:s8] =	dma.local @!p0 [hbm:s6], $0xF7A  }
0x23: {  	s9 =	sor.u32 $0xD0000000, s2;
	s6 =	simm.s32 $0x108;
	_ =	swait.ge @!p0 [sflag:s8], $0x0  }
0x24: {  	s3 =	sadd.s32 $0x88, s3;
	s6 =	simm.s32 @!p1 $0x1082;
	[sflag:s4] =	ssyncset.s32 $0xFFFFF086  }
0x25: {  	[simem:s6], [sflag:s4] =	dma.local [hbm:s3], $0xF7A  }
0x26: {  	[smem:$0x3F91] =	sst s1;
	(tag) =	ssettag s2;
	_ =	strace s9  }
0x27: {  	s1 =	sld [smem:$0x3FA1]  }
0x28: {  	s2 =	sld [smem:$0x3FA2]  }
0x29: {  	s4 =	sld [smem:$0x3FA4]  }
0x2a: {  	p0 =	seq.s32 s5, $0x0;
	s5 =	sld [smem:$0x3FA5]  }
0x2b: {  	s6 =	sld [smem:$0x3FA6]  }
0x2c: {  	s7 =	sld [smem:$0x3FA7]  }
0x2d: {  	s3 =	simm.s32 $0x108;
	s8 =	sld [smem:$0x3FA8]  }
0x2e: {  	s3 =	simm.s32 @!p0 $0x1082;
	s9 =	sld [smem:$0x3FA9]  }
0x2f: {  	lr =	sadd.s32 s0, s3;
	s0 =	sld [smem:$0x3FA0]  }
0x30: {  	s3 =	sld [smem:$0x3FA3]  }
0x31: {  	[smem:$0x3FAC] =	sst s10  }
0x32: {  	s10 =	sld [smem:$0x3FAA];
	_ =	sdelay $0x3  }
0x33: {  	p0 =	seq.s32 s10, $0x1;
	s10 =	sld [smem:$0x3FAC];
	_ =	sdelay $0x3  }
0x34: {  	[smem:$0x3FAC] =	sst s10  }
0x35: {  	s10 =	sld [smem:$0x3FAB];
	_ =	sdelay $0x3  }
0x36: {  	p1 =	seq.s32 s10, $0x1;
	s10 =	sld [smem:$0x3FAC];
	_ =	sdelay $0x3  }
0x37: {  	[smem:$0x3FAC] =	sst s10  }
0x38: {  	s10 =	sld [smem:$0x3FAD]  }
0x39: {  	_ = 	snop;
	(pc) =	sbr.ind lr, $3  }
0x3a: {  	_ = 	snop  }
0x3b: {  	_ = 	snop  }
0x3c: {  	p2 =	seq.s32 s10, $0x1;
	s10 =	sld [smem:$0x3FAC]  }
0x3d: {  	_ =	shalt  }
0x3e: {  	_ =	shalt  }
0x3f: {  	_ =	shalt  }
0x40: {  	_ =	shalt  }
0x41: {  	_ =	shalt  }
0x42: {  	_ =	shalt  }
0x43: {  	_ =	shalt  }
0x44: {  	_ =	shalt  }
0x45: {  	_ =	shalt  }
0x46: {  	_ =	shalt  }
0x47: {  	_ =	shalt  }
0x48: {  	_ =	shalt  }
0x49: {  	_ =	shalt  }
0x4a: {  	_ =	shalt  }
0x4b: {  	_ =	shalt  }
0x4c: {  	_ =	shalt  }
0x4d: {  	_ =	shalt  }
0x4e: {  	_ =	shalt  }
0x4f: {  	_ =	shalt  }
0x50: {  	_ =	shalt  }
0x51: {  	_ =	shalt  }
0x52: {  	_ =	shalt  }
0x53: {  	_ =	shalt  }
0x54: {  	_ =	shalt  }
0x55: {  	_ =	shalt  }
0x56: {  	_ =	shalt  }
0x57: {  	_ =	shalt  }
0x58: {  	_ =	shalt  }
0x59: {  	_ =	shalt  }
0x5a: {  	_ =	shalt  }
0x5b: {  	_ =	shalt  }
0x5c: {  	_ =	shalt  }
0x5d: {  	_ =	shalt  }
0x5e: {  	_ =	shalt  }
0x5f: {  	_ =	shalt  }
0x60: {  	_ =	shalt  }
0x61: {  	_ =	shalt  }
0x62: {  	_ =	shalt  }
0x63: {  	_ =	shalt  }
0x64: {  	_ =	shalt  }
0x65: {  	_ =	shalt  }
0x66: {  	_ =	shalt  }
0x67: {  	_ =	shalt  }
0x68: {  	_ =	shalt  }
0x69: {  	_ =	shalt  }
0x6a: {  	_ =	shalt  }
0x6b: {  	_ =	shalt  }
0x6c: {  	_ =	shalt  }
0x6d: {  	_ =	shalt  }
0x6e: {  	_ =	shalt  }
0x6f: {  	_ =	shalt  }
0x70: {  	_ =	shalt  }
0x71: {  	_ =	shalt  }
0x72: {  	_ =	shalt  }
0x73: {  	_ =	shalt  }
0x74: {  	_ =	shalt  }
0x75: {  	_ =	shalt  }
0x76: {  	_ =	shalt  }
0x77: {  	_ =	shalt  }
0x78: {  	_ =	shalt  }
0x79: {  	_ =	shalt  }
0x7a: {  	_ =	shalt  }
0x7b: {  	_ =	shalt  }
0x7c: {  	_ =	shalt  }
0x7d: {  	_ =	shalt  }
0x7e: {  	_ =	shalt  }
0x7f: {  	_ =	shalt  }
0x80: {  	_ =	shalt  }
0x81: {  	_ =	shalt  }
0x82: {  	_ =	shalt  }
0x83: {  	_ =	shalt  }
0x84: {  	_ =	shalt  }
0x85: {  	_ =	shalt  }
0x86: {  	_ =	shalt  }
0x87: {  	_ =	shalt  }
.Lfunc_end0:
.L_simem_size_0:
called_computation.1_lowered:
.L_overlay_start_0:
0x88: {  	s2 =	sld [smem:$0x3FD9]  }
0x89: {  	s3 =	sld [smem:$0x3FFE];
	_ =	sdelay $0x1  }
0x8a: {  	s1 =	srdreg.scid  }
0x8b: {  	s0 =	sand.u32 $0x1, s1  }
0x8c: {  	s16 =	sshll.u32 s0, $0xA;
	s2 =	sadd.s32 s3, s2  }
0x8d: {  	s2 =	sadd.s32 s2, s16  }
0x8e: {  	[smem:$0x3FB8] =	sst s2  }
0x8f: {  	_ = 	snop  }
0x90: {  	(tm) =	ssettm $0x1  }
0x91: {  	s17 =	sld [smem:$0x3FFB];
	_ =	sdelay $0x3  }
0x92: {  	_ =	strace s17  }
0x93: {  	s2 =	sld [smem:$0x3FFC];
	_ =	sdelay $0x3  }
0x94: {  	_ =	strace s2  }
0x95: {  	s2 =	sld [smem:$0x3FFD];
	_ =	sdelay $0x3  }
0x96: {  	_ =	strace s2  }
0x97: {  	_ =	strace $0x8FFFFFFF  }
0x98: {  	s18 =	sld [smem:$0x3FDB];
	_ =	sdelay $0x1  }
0x99: {  	s19 =	simm.s32 $_scs_section_size  }
0x9a: {  	s4 =	simm.s32 $_size__tile_overlayer_lowered;
	s5 =	simm.s32 $_tile_overlayer_lowered  }
0x9b: {  	s22 =	simm.s32 $0x1BFF;
	s21 =	sshll.u32 s5, $0x1;
	s2 =	sadd.s32 s19, s18  }
0x9c: {  	s6 =	simm.s32 $0x0;
	s20 =	sshll.u32 s4, $0x1;
	s4 =	sadd.s32 s21, s2  }
0x9d: {  	[timem:s6], [sflag:s22] =	dma.local [hbm:s4], s20  }
0x9e: {  	_ =	swait.ge [sflag:s22], s20  }
0x9f: {  	s3 =	ssub.s32 $0x0, s20;
	[sflag:s22] =	ssyncset.done $0x0  }
0xa0: {  	[sflag:s22] =	ssyncadd.s32 s3;
	_ =	sdelay $0x1  }
0xa1: {  	s23 =	simm.s32 $0x1B8B  }
0xa2: {  	_ =	swait.ge [sflag:s23], $0x1  }
0xa3: {  	[sflag:s23] =	ssyncset.done $0x0  }
0xa4: {  	s25 =	simm.s32 $0x1B8E;
	s24 =	sld [smem:$0x3FFE];
	[sflag:s23] =	ssyncadd.s32 $0xFFFFFFFF  }
0xa5: {  	s26 =	simm.s32 $execute0_lowered;
	[smem:$0x3FD2] =	sst s25  }
0xa6: {  	s4 =	sshll.u32 s26, $0x1;
	_ =	strace $0x80000049;
	[dreg:$0x1] =	wrdreg $0xFFFFFFFF  }
0xa7: {  	s28 =	simm.s32 $_size_execute0_lowered;
	s2 =	sadd.s32 s2, s4;
	[dreg:$0x0] =	wrdreg $0x0  }
0xa8: {  	s4 =	sshll.u32 s28, $0x1;
	[dreg:$0x2] =	wrdreg s2  }
0xa9: {  	[dreg:$0x3] =	wrdreg s4  }
0xaa: {  	[dreg:$0x4] =	wrdreg $0xC0  }
0xab: {  	_ =	task [dreg:s6], $0x5FFFF  }
0xac: {  	[dreg:$0x1] =	wrdreg $0xFFFFFFFF  }
0xad: {  	[dreg:$0x0] =	wrdreg $0x60  }
0xae: {  	[dreg:$0x2] =	wrdreg s24  }
0xaf: {  	[dreg:$0x3] =	wrdreg $0xA8000  }
0xb0: {  	[dreg:$0x4] =	wrdreg $0x9  }
0xb1: {  	_ =	task.clear_ibuf [dreg:s6], $0x5FFFF;
	_ =	strace $0x90000049  }
0xb2: {  	s29 =	simm.s32 $0x9;
	_ =	strace $0x8000004B  }
0xb3: {  	_ =	swait.ge [sflag:s29], $0x1  }
0xb4: {  	[sflag:s29] =	ssyncadd.s32 $0xFFFFFFFF  }
0xb5: {  	_ =	strace $0x9000004B  }
0xb6: {  	_ =	sfence  }
0xb7: {  	s30 =	sld [smem:$0x0];
	_ =	sdelay $0x2  }
0xb8: {  	s31 =	sshll.u32 s1, $0xD;
	s1 =	sshrl.u32 s1, $0x2  }
0xb9: {  	s3 =	sand.u32 $0x4000, s31;
	s1 =	sadd.s32 s1, s30  }
0xba: {  	s0 =	sor.u32 s3, s0;
	s1 =	sshll.u32 s1, $0x11  }
0xbb: {  	s0 =	sor.u32 s1, s0  }
0xbc: {  	s0 =	sadd.s32 $0x8F2B, s0  }
0xbd: {  	[sflag:s0] =	ssyncadd.remote.s32 $0x1  }
0xbe: {  	_ =	sfence.sel $0xFFFF  }
0xbf: {  	[dreg:$0x0] =	wrdreg $0xFFFFFFFF;
	(pc) =	sbr.abs _section_cstart, $3  }
0xc0: {  	[dreg:$0x1] =	wrdreg $0xFFFFFFFF  }
0xc1: {  	_ =	task.clear_ibuf [dreg:s6], $0x2FFFF;
	_ =	strace $0x9FFFFFFF  }
0xc2: {  	(tm) =	ssettm $0x7FFFFFFF  }
0xc3: {  	_ =	shalt  }
tec
execute0_lowered:
.L_overlay_start_1:
0x0: {  	(tag) =	ssettag $0x1  }
0x1: {  	s0 =	srdreg.scid  }
0x2: {  	s1 =	rddreg [dreg:$0x0];
	s10 =	stileid.u32  }
0x3: {  	s2 =	rddreg [dreg:$0x1];
	s3 =	simm.s32 $0x0;
	s14 =	simm.s32 $0x3  }
0x4: {  	s16 =	simm.s32 $0x20;
	s17 =	simm.s32 $0x2800;
	s5 =	smul.u32 $0x50, s10  }
0x5: {  	s18 =	simm.s32 $0x3800;
	s19 =	simm.s32 $0x40;
	s20 =	smul.u32 $0x280, s10  }
0x6: {  	s28 =	simm.s32 $0xC0;
	s29 =	simm.s32 $0x8800;
	s21 =	smul.u32 $0x50000, s10  }
0x7: {  	s30 =	simm.s32 $0xE0;
	s31 =	simm.s32 $0x9800;
	s22 =	smul.u32 $0x2800, s10  }
0x8: {  	s0 =	sand.u32 $0x1, s0;
	s23 =	sshll.u32 s10, $0x6;
	s10 =	smul.u32 $0x500, s10  }
0x9: {  	[smem:$0x7FF] =	sst s3;
	s8 =	sadd.s32 $0x2400, s1;
	s4 =	smul.u32 $0x500, s0  }
0xa: {  	s6 =	smul.u32 $0x2800, s0;
	_ =	strace $0x8000004A;
	s0 =	ssub.s32 $0x2, s0  }
0xb: {  	s9 =	sshrl.u32 s0, $0x1;
	s24 =	sshrl.u32 s22, $0x3;
	s26 =	sadd.s32 s8, s10  }
0xc: {  	s22 =	simm.s32 $0x5800;
	s4 =	sadd.s32 s5, s4;
	s5 =	sadd.s32 s20, s6  }
0xd: {  	s0 =	ssub.s32 s0, s9;
	s6 =	sshrl.u32 s21, $0x2;
	[dreg:$0x5] =	wrdreg s26  }
0xe: {  	s20 =	simm.s32 $0x4800;
	s21 =	simm.s32 $0x60;
	s26 =	simm.s32 $0x7800  }
0xf: {  	s7 =	sshll.u32 s4, $0x4;
	s4 =	sadd.s32 $0x7400, s1;
	s5 =	sshll.u32 s5, $0x4  }
0x10: {  	s13 =	sadd.s32 s6, s2;
	s6 =	sor.u32 $0x1C03, s23;
	s12 =	smax.u32 s0, $0x1  }
0x11: {  	s23 =	simm.s32 $0x80;
	s0 =	simm.s32 $0x2;
	s7 =	sadd.s32 s7, s1  }
0x12: {  	s1 =	sadd.s32 s5, s1;
	s5 =	sadd.s32 s4, s5;
	s13 =	sshrl.u32 s13, $0x3  }
0x13: {  	[dreg:$0x3] =	wrdreg s5;
	s25 =	sadd.s32 $0x142A00, s7;
	s5 =	sadd.s32 s8, s24  }
0x14: {  	s7 =	sadd.s32 $0x142C80, s7;
	s11 =	sadd.s32 $0x57400, s1;
	s24 =	simm.s32 $0x6800  }
0x15: {  	s1 =	simm.s32 $0x1;
	s8 =	simm.s32 $0x0;
	[dreg:$0x4] =	wrdreg s25  }
0x16: {  	[dreg:$0x6] =	wrdreg s7;
	s5 =	sadd.s32 $0x280, s5;
	s25 =	simm.s32 $0xA0  }
0x17: {  	s7 =	simm.s32 $0x2780;
	[dreg:$0x7] =	wrdreg s5;
	s5 =	simm.s32 $0x2700  }
.LBB2_1:
0x18: {  	s9 =	rddreg [dreg:$0x3]  }
0x19: {  	[spmem:s13], [sflag:s6] =	dma.local [hbm:s9], $0x2800  }
0x1a: {  	_ =	swait.ge [sflag:s14], $0x2800  }
0x1b: {  	[sflag:s14] =	ssyncset.done $0x0  }
0x1c: {  	[sflag:s14] =	ssyncadd.s32 $0xFFFFD800  }
0x1d: {  	[bflag:$0x0] =	sbarrier.arrive $0xFFFF  }
0x1e: {  	s10 =	rddreg [dreg:$0x4]  }
0x1f: {  	[tilespmem:s3], [sflag:$0x3] =	stream.linear.gather [hbm4b:s10+s3], $0x1400, $0x38;
	[tilespmem:$0x1E800] =	vst v63  }
0x20: {  	_ =	swait.ge [sflag:s14], $0x1400  }
0x21: {  	[sflag:s14] =	ssyncset.done $0x0  }
0x22: {  	s10 =	simm.s32 $0x1400;
	s15 =	rddreg [dreg:$0x5];
	[sflag:s14] =	ssyncadd.s32 $0xFFFFEC00  }
0x23: {  	[tilespmem:s10], [sflag:$0x3] =	stream.linear.gather [hbm4b:s15+s3], $0x1400, $0x38;
	[tilespmem:$0x1E800] =	vst v63  }
0x24: {  	_ =	swait.ge [sflag:s14], $0x1400  }
0x25: {  	[sflag:s14] =	ssyncset.done $0x0  }
0x26: {  	[sflag:s14] =	ssyncadd.s32 $0xFFFFEC00  }
0x27: {  	[tilespmem:s17], [sflag:$0x1] =	stream.indirect.gather [hbm4b:s4+s16], $0x80, s3, s16, $0xb8;
	[tilespmem:$0x1E800] =	vst v63  }
0x28: {  	_ = 	snop  }
0x29: {  	[tilespmem:s18], [sflag:$0x1] =	stream.indirect.gather [hbm4b:s4+s16], $0x80, s16, s16, $0xb8;
	[tilespmem:$0x1E800] =	vst v63  }
0x2a: {  	_ = 	snop  }
0x2b: {  	[tilespmem:s20], [sflag:$0x1] =	stream.indirect.gather [hbm4b:s4+s16], $0x80, s19, s16, $0xb8;
	[tilespmem:$0x1E800] =	vst v63  }
0x2c: {  	_ = 	snop  }
0x2d: {  	[tilespmem:s22], [sflag:$0x1] =	stream.indirect.gather [hbm4b:s4+s16], $0x80, s21, s16, $0xb8;
	[tilespmem:$0x1E800] =	vst v63  }
0x2e: {  	_ = 	snop  }
0x2f: {  	[tilespmem:s24], [sflag:$0x2] =	stream.indirect.gather [hbm4b:s4+s16], $0x80, s23, s16, $0xb8;
	[tilespmem:$0x1E800] =	vst v63  }
0x30: {  	_ = 	snop  }
0x31: {  	[tilespmem:s26], [sflag:$0x2] =	stream.indirect.gather [hbm4b:s4+s16], $0x80, s25, s16, $0xb8;
	[tilespmem:$0x1E800] =	vst v63  }
0x32: {  	_ = 	snop  }
0x33: {  	[tilespmem:s29], [sflag:$0x2] =	stream.indirect.gather [hbm4b:s4+s16], $0x80, s28, s16, $0xb8;
	[tilespmem:$0x1E800] =	vst v63  }
0x34: {  	_ = 	snop  }
0x35: {  	[tilespmem:s31], [sflag:$0x2] =	stream.indirect.gather [hbm4b:s4+s16], $0x80, s30, s16, $0xb8;
	[tilespmem:$0x1E800] =	vst v63  }
0x36: {  	_ =	swait.ge [sflag:s1], $0x1000  }
0x37: {  	[sflag:s1] =	ssyncset.done $0x0  }
0x38: {  	[sflag:s1] =	ssyncadd.s32 $0xFFFFF000  }
0x39: {  	_ =	swait.ge [sflag:s1], $0x1000  }
0x3a: {  	[sflag:s1] =	ssyncset.done $0x0  }
0x3b: {  	[sflag:s1] =	ssyncadd.s32 $0xFFFFF000  }
0x3c: {  	_ =	swait.ge [sflag:s1], $0x1000  }
0x3d: {  	[sflag:s1] =	ssyncset.done $0x0  }
0x3e: {  	[sflag:s1] =	ssyncadd.s32 $0xFFFFF000  }
0x3f: {  	_ =	swait.ge [sflag:s1], $0x1000  }
0x40: {  	[sflag:s1] =	ssyncset.done $0x0  }
0x41: {  	s15 =	simm.s32 $0x1400;
	[sflag:s1] =	ssyncadd.s32 $0xFFFFF000  }
0x42: {  	[spmem:s2] =	stream.indirect.scatter.add.f32 [tilespmem:s17], [sflag:$0x3], $0x80, s15, s23, $0xb8;
	[tilespmem:$0x1E800] =	vst v63  }
0x43: {  	_ =	swait.ge [sflag:s14], $0x4000  }
0x44: {  	[sflag:s14] =	ssyncset.done $0x0  }
0x45: {  	s10 =	simm.s32 $0x100;
	[sflag:s14] =	ssyncadd.s32 $0xFFFFC000  }
0x46: {  	[tilespmem:s17], [sflag:$0x1] =	stream.indirect.gather [hbm4b:s4+s16], $0x80, s10, s16, $0xb8;
	[tilespmem:$0x1E800] =	vst v63  }
0x47: {  	s15 =	simm.s32 $0x120  }
0x48: {  	[tilespmem:s18], [sflag:$0x1] =	stream.indirect.gather [hbm4b:s4+s16], $0x80, s15, s16, $0xb8;
	[tilespmem:$0x1E800] =	vst v63  }
0x49: {  	s10 =	simm.s32 $0x140  }
0x4a: {  	[tilespmem:s20], [sflag:$0x1] =	stream.indirect.gather [hbm4b:s4+s16], $0x80, s10, s16, $0xb8;
	[tilespmem:$0x1E800] =	vst v63  }
0x4b: {  	s15 =	simm.s32 $0x160  }
0x4c: {  	[tilespmem:s22], [sflag:$0x1] =	stream.indirect.gather [hbm4b:s4+s16], $0x80, s15, s16, $0xb8;
	[tilespmem:$0x1E800] =	vst v63  }
0x4d: {  	_ =	swait.ge [sflag:s0], $0x1000  }
0x4e: {  	[sflag:s0] =	ssyncset.done $0x0  }
0x4f: {  	[sflag:s0] =	ssyncadd.s32 $0xFFFFF000  }
0x50: {  	_ =	swait.ge [sflag:s0], $0x1000  }
0x51: {  	[sflag:s0] =	ssyncset.done $0x0  }
0x52: {  	[sflag:s0] =	ssyncadd.s32 $0xFFFFF000  }
0x53: {  	_ =	swait.ge [sflag:s0], $0x1000  }
0x54: {  	[sflag:s0] =	ssyncset.done $0x0  }
0x55: {  	[sflag:s0] =	ssyncadd.s32 $0xFFFFF000  }
0x56: {  	_ =	swait.ge [sflag:s0], $0x1000  }
0x57: {  	[sflag:s0] =	ssyncset.done $0x0  }
0x58: {  	s10 =	simm.s32 $0x1480;
	[sflag:s0] =	ssyncadd.s32 $0xFFFFF000  }
0x59: {  	[spmem:s2] =	stream.indirect.scatter.add.f32 [tilespmem:s24], [sflag:$0x3], $0x80, s10, s23, $0xb8;
	[tilespmem:$0x1E800] =	vst v63  }
0x5a: {  	_ =	swait.ge [sflag:s14], $0x4000  }
0x5b: {  	[sflag:s14] =	ssyncset.done $0x0  }
0x5c: {  	s15 =	simm.s32 $0x180;
	[sflag:s14] =	ssyncadd.s32 $0xFFFFC000  }
0x5d: {  	[tilespmem:s24], [sflag:$0x2] =	stream.indirect.gather [hbm4b:s4+s16], $0x80, s15, s16, $0xb8;
	[tilespmem:$0x1E800] =	vst v63  }
0x5e: {  	s10 =	simm.s32 $0x1A0  }
0x5f: {  	[tilespmem:s26], [sflag:$0x2] =	stream.indirect.gather [hbm4b:s4+s16], $0x80, s10, s16, $0xb8;
	[tilespmem:$0x1E800] =	vst v63  }
0x60: {  	s15 =	simm.s32 $0x1C0  }
0x61: {  	[tilespmem:s29], [sflag:$0x2] =	stream.indirect.gather [hbm4b:s4+s16], $0x80, s15, s16, $0xb8;
	[tilespmem:$0x1E800] =	vst v63  }
0x62: {  	s9 =	simm.s32 $0x1E0;
	s15 =	simm.s32 $0x400  }
.LBB2_2:
0x63: {  	[tilespmem:s31], [sflag:$0x2] =	stream.indirect.gather [hbm4b:s4+s16], $0x80, s9, s16, $0xb8;
	[tilespmem:$0x1E800] =	vst v63  }
0x64: {  	s9 =	smov.u32 s15  }
0x65: {  	p0 =	sne.s32 s15, $0x4800;
	s15 =	sadd.s32 $0x400, s15;
	_ =	swait.ge [sflag:s1], $0x1000  }
0x66: {  	[sflag:s1] =	ssyncset.done $0x0  }
0x67: {  	[sflag:s1] =	ssyncadd.s32 $0xFFFFF000  }
0x68: {  	_ =	swait.ge [sflag:s1], $0x1000  }
0x69: {  	[sflag:s1] =	ssyncset.done $0x0  }
0x6a: {  	[sflag:s1] =	ssyncadd.s32 $0xFFFFF000  }
0x6b: {  	_ =	swait.ge [sflag:s1], $0x1000  }
0x6c: {  	[sflag:s1] =	ssyncset.done $0x0  }
0x6d: {  	[sflag:s1] =	ssyncadd.s32 $0xFFFFF000  }
0x6e: {  	_ =	swait.ge [sflag:s1], $0x1000  }
0x6f: {  	s9 =	sshra.s32 s9, $0x2;
	[sflag:s1] =	ssyncset.done $0x0  }
0x70: {  	s10 =	sadd.s32 $0x1400, s9;
	[sflag:s1] =	ssyncadd.s32 $0xFFFFF000  }
0x71: {  	[spmem:s2] =	stream.indirect.scatter.add.f32 [tilespmem:s17], [sflag:$0x3], $0x80, s10, s23, $0xb8;
	[tilespmem:$0x1E800] =	vst v63  }
0x72: {  	_ =	swait.ge [sflag:s14], $0x4000  }
0x73: {  	[sflag:s14] =	ssyncset.done $0x0  }
0x74: {  	s10 =	sadd.s32 $0x100, s9;
	[sflag:s14] =	ssyncadd.s32 $0xFFFFC000  }
0x75: {  	[tilespmem:s17], [sflag:$0x1] =	stream.indirect.gather [hbm4b:s4+s16], $0x80, s10, s16, $0xb8;
	[tilespmem:$0x1E800] =	vst v63  }
0x76: {  	s10 =	sadd.s32 $0x120, s9  }
0x77: {  	[tilespmem:s18], [sflag:$0x1] =	stream.indirect.gather [hbm4b:s4+s16], $0x80, s10, s16, $0xb8;
	[tilespmem:$0x1E800] =	vst v63  }
0x78: {  	s10 =	sadd.s32 $0x140, s9  }
0x79: {  	[tilespmem:s20], [sflag:$0x1] =	stream.indirect.gather [hbm4b:s4+s16], $0x80, s10, s16, $0xb8;
	[tilespmem:$0x1E800] =	vst v63  }
0x7a: {  	s10 =	sadd.s32 $0x160, s9  }
0x7b: {  	[tilespmem:s22], [sflag:$0x1] =	stream.indirect.gather [hbm4b:s4+s16], $0x80, s10, s16, $0xb8;
	[tilespmem:$0x1E800] =	vst v63  }
0x7c: {  	_ =	swait.ge [sflag:s0], $0x1000  }
0x7d: {  	[sflag:s0] =	ssyncset.done $0x0  }
0x7e: {  	[sflag:s0] =	ssyncadd.s32 $0xFFFFF000  }
0x7f: {  	_ =	swait.ge [sflag:s0], $0x1000  }
0x80: {  	[sflag:s0] =	ssyncset.done $0x0  }
0x81: {  	[sflag:s0] =	ssyncadd.s32 $0xFFFFF000  }
0x82: {  	_ =	swait.ge [sflag:s0], $0x1000  }
0x83: {  	[sflag:s0] =	ssyncset.done $0x0  }
0x84: {  	[sflag:s0] =	ssyncadd.s32 $0xFFFFF000  }
0x85: {  	_ =	swait.ge [sflag:s0], $0x1000  }
0x86: {  	[sflag:s0] =	ssyncset.done $0x0  }
0x87: {  	s10 =	sadd.s32 $0x1480, s9;
	[sflag:s0] =	ssyncadd.s32 $0xFFFFF000  }
0x88: {  	[spmem:s2] =	stream.indirect.scatter.add.f32 [tilespmem:s24], [sflag:$0x3], $0x80, s10, s23, $0xb8;
	[tilespmem:$0x1E800] =	vst v63  }
0x89: {  	_ =	swait.ge [sflag:s14], $0x4000  }
0x8a: {  	[sflag:s14] =	ssyncset.done $0x0  }
0x8b: {  	s10 =	sadd.s32 $0x180, s9;
	[sflag:s14] =	ssyncadd.s32 $0xFFFFC000  }
0x8c: {  	[tilespmem:s24], [sflag:$0x2] =	stream.indirect.gather [hbm4b:s4+s16], $0x80, s10, s16, $0xb8;
	[tilespmem:$0x1E800] =	vst v63  }
.Ltmp0:
0x8d: {  	s10 =	sadd.s32 $0x1A0, s9;
	(pc) =	sbr.rel @p0 .LBB2_2-.Ltmp0, $4  }
0x8e: {  	[tilespmem:s26], [sflag:$0x2] =	stream.indirect.gather [hbm4b:s4+s16], $0x80, s10, s16, $0xb8;
	[tilespmem:$0x1E800] =	vst v63  }
0x8f: {  	s10 =	sadd.s32 $0x1C0, s9  }
0x90: {  	[tilespmem:s29], [sflag:$0x2] =	stream.indirect.gather [hbm4b:s4+s16], $0x80, s10, s16, $0xb8;
	[tilespmem:$0x1E800] =	vst v63  }
0x91: {  	s9 =	sadd.s32 $0x1E0, s9  }
0x92: {  	[tilespmem:s31], [sflag:$0x2] =	stream.indirect.gather [hbm4b:s4+s16], $0x80, s9, s16, $0xb8;
	[tilespmem:$0x1E800] =	vst v63  }
0x93: {  	_ =	swait.ge [sflag:s1], $0x1000  }
0x94: {  	[sflag:s1] =	ssyncset.done $0x0  }
0x95: {  	[sflag:s1] =	ssyncadd.s32 $0xFFFFF000  }
0x96: {  	_ =	swait.ge [sflag:s1], $0x1000  }
0x97: {  	[sflag:s1] =	ssyncset.done $0x0  }
0x98: {  	[sflag:s1] =	ssyncadd.s32 $0xFFFFF000  }
0x99: {  	_ =	swait.ge [sflag:s1], $0x1000  }
0x9a: {  	[sflag:s1] =	ssyncset.done $0x0  }
0x9b: {  	[sflag:s1] =	ssyncadd.s32 $0xFFFFF000  }
0x9c: {  	_ =	swait.ge [sflag:s1], $0x1000  }
0x9d: {  	[sflag:s1] =	ssyncset.done $0x0  }
0x9e: {  	[sflag:s1] =	ssyncadd.s32 $0xFFFFF000  }
0x9f: {  	[spmem:s2] =	stream.indirect.scatter.add.f32 [tilespmem:s17], [sflag:$0x3], $0x80, s5, s23, $0xb8;
	[tilespmem:$0x1E800] =	vst v63  }
0xa0: {  	_ =	swait.ge [sflag:s14], $0x4000  }
0xa1: {  	[sflag:s14] =	ssyncset.done $0x0  }
0xa2: {  	[sflag:s14] =	ssyncadd.s32 $0xFFFFC000  }
0xa3: {  	_ =	swait.ge [sflag:s0], $0x1000  }
0xa4: {  	[sflag:s0] =	ssyncset.done $0x0  }
0xa5: {  	[sflag:s0] =	ssyncadd.s32 $0xFFFFF000  }
0xa6: {  	_ =	swait.ge [sflag:s0], $0x1000  }
0xa7: {  	[sflag:s0] =	ssyncset.done $0x0  }
0xa8: {  	[sflag:s0] =	ssyncadd.s32 $0xFFFFF000  }
0xa9: {  	_ =	swait.ge [sflag:s0], $0x1000  }
0xaa: {  	[sflag:s0] =	ssyncset.done $0x0  }
0xab: {  	[sflag:s0] =	ssyncadd.s32 $0xFFFFF000  }
0xac: {  	_ =	swait.ge [sflag:s0], $0x1000  }
0xad: {  	[sflag:s0] =	ssyncset.done $0x0  }
0xae: {  	[sflag:s0] =	ssyncadd.s32 $0xFFFFF000  }
0xaf: {  	[spmem:s2] =	stream.indirect.scatter.add.f32 [tilespmem:s24], [sflag:$0x3], $0x80, s7, s23, $0xb8;
	[tilespmem:$0x1E800] =	vst v63  }
0xb0: {  	_ =	swait.ge [sflag:s14], $0x4000  }
0xb1: {  	[sflag:s14] =	ssyncset.done $0x0  }
0xb2: {  	s9 =	simm.s32 $0x0;
	s10 =	rddreg [dreg:$0x6];
	[sflag:s14] =	ssyncadd.s32 $0xFFFFC000  }
0xb3: {  	[tilespmem:s9], [sflag:$0x3] =	stream.linear.gather [hbm4b:s10+s9], $0x1400, $0x38;
	[tilespmem:$0x1E800] =	vst v63  }
0xb4: {  	_ =	swait.ge [sflag:s14], $0x1400  }
0xb5: {  	[sflag:s14] =	ssyncset.done $0x0  }
0xb6: {  	s15 =	simm.s32 $0x1400;
	s10 =	rddreg [dreg:$0x7];
	[sflag:s14] =	ssyncadd.s32 $0xFFFFEC00  }
0xb7: {  	[tilespmem:s15], [sflag:$0x3] =	stream.linear.gather [hbm4b:s10+s9], $0x1400, $0x38;
	[tilespmem:$0x1E800] =	vst v63  }
0xb8: {  	_ =	swait.ge [sflag:s14], $0x1400  }
0xb9: {  	[sflag:s14] =	ssyncset.done $0x0  }
0xba: {  	[sflag:s14] =	ssyncadd.s32 $0xFFFFEC00  }
0xbb: {  	[tilespmem:s17], [sflag:$0x1] =	stream.indirect.gather [hbm4b:s4+s16], $0x80, s9, s16, $0xb8;
	[tilespmem:$0x1E800] =	vst v63  }
0xbc: {  	_ = 	snop  }
0xbd: {  	[tilespmem:s18], [sflag:$0x1] =	stream.indirect.gather [hbm4b:s4+s16], $0x80, s16, s16, $0xb8;
	[tilespmem:$0x1E800] =	vst v63  }
0xbe: {  	_ = 	snop  }
0xbf: {  	[tilespmem:s20], [sflag:$0x1] =	stream.indirect.gather [hbm4b:s4+s16], $0x80, s19, s16, $0xb8;
	[tilespmem:$0x1E800] =	vst v63  }
0xc0: {  	_ = 	snop  }
0xc1: {  	[tilespmem:s22], [sflag:$0x1] =	stream.indirect.gather [hbm4b:s4+s16], $0x80, s21, s16, $0xb8;
	[tilespmem:$0x1E800] =	vst v63  }
0xc2: {  	_ = 	snop  }
0xc3: {  	[tilespmem:s24], [sflag:$0x2] =	stream.indirect.gather [hbm4b:s4+s16], $0x80, s23, s16, $0xb8;
	[tilespmem:$0x1E800] =	vst v63  }
0xc4: {  	_ = 	snop  }
0xc5: {  	[tilespmem:s26], [sflag:$0x2] =	stream.indirect.gather [hbm4b:s4+s16], $0x80, s25, s16, $0xb8;
	[tilespmem:$0x1E800] =	vst v63  }
0xc6: {  	_ = 	snop  }
0xc7: {  	[tilespmem:s29], [sflag:$0x2] =	stream.indirect.gather [hbm4b:s4+s16], $0x80, s28, s16, $0xb8;
	[tilespmem:$0x1E800] =	vst v63  }
0xc8: {  	_ = 	snop  }
0xc9: {  	[tilespmem:s31], [sflag:$0x2] =	stream.indirect.gather [hbm4b:s4+s16], $0x80, s30, s16, $0xb8;
	[tilespmem:$0x1E800] =	vst v63  }
0xca: {  	_ =	swait.ge [sflag:s1], $0x1000  }
0xcb: {  	[sflag:s1] =	ssyncset.done $0x0  }
0xcc: {  	[sflag:s1] =	ssyncadd.s32 $0xFFFFF000  }
0xcd: {  	_ =	swait.ge [sflag:s1], $0x1000  }
0xce: {  	[sflag:s1] =	ssyncset.done $0x0  }
0xcf: {  	[sflag:s1] =	ssyncadd.s32 $0xFFFFF000  }
0xd0: {  	_ =	swait.ge [sflag:s1], $0x1000  }
0xd1: {  	[sflag:s1] =	ssyncset.done $0x0  }
0xd2: {  	[sflag:s1] =	ssyncadd.s32 $0xFFFFF000  }
0xd3: {  	_ =	swait.ge [sflag:s1], $0x1000  }
0xd4: {  	[sflag:s1] =	ssyncset.done $0x0  }
0xd5: {  	s15 =	simm.s32 $0x1400;
	[sflag:s1] =	ssyncadd.s32 $0xFFFFF000  }
0xd6: {  	[spmem:s2] =	stream.indirect.scatter.add.f32 [tilespmem:s17], [sflag:$0x3], $0x80, s15, s23, $0xb8;
	[tilespmem:$0x1E800] =	vst v63  }
0xd7: {  	_ =	swait.ge [sflag:s14], $0x4000  }
0xd8: {  	[sflag:s14] =	ssyncset.done $0x0  }
0xd9: {  	s10 =	simm.s32 $0x100;
	[sflag:s14] =	ssyncadd.s32 $0xFFFFC000  }
0xda: {  	[tilespmem:s17], [sflag:$0x1] =	stream.indirect.gather [hbm4b:s4+s16], $0x80, s10, s16, $0xb8;
	[tilespmem:$0x1E800] =	vst v63  }
0xdb: {  	s15 =	simm.s32 $0x120  }
0xdc: {  	[tilespmem:s18], [sflag:$0x1] =	stream.indirect.gather [hbm4b:s4+s16], $0x80, s15, s16, $0xb8;
	[tilespmem:$0x1E800] =	vst v63  }
0xdd: {  	s10 =	simm.s32 $0x140  }
0xde: {  	[tilespmem:s20], [sflag:$0x1] =	stream.indirect.gather [hbm4b:s4+s16], $0x80, s10, s16, $0xb8;
	[tilespmem:$0x1E800] =	vst v63  }
0xdf: {  	s15 =	simm.s32 $0x160  }
0xe0: {  	[tilespmem:s22], [sflag:$0x1] =	stream.indirect.gather [hbm4b:s4+s16], $0x80, s15, s16, $0xb8;
	[tilespmem:$0x1E800] =	vst v63  }
0xe1: {  	_ =	swait.ge [sflag:s0], $0x1000  }
0xe2: {  	[sflag:s0] =	ssyncset.done $0x0  }
0xe3: {  	[sflag:s0] =	ssyncadd.s32 $0xFFFFF000  }
0xe4: {  	_ =	swait.ge [sflag:s0], $0x1000  }
0xe5: {  	[sflag:s0] =	ssyncset.done $0x0  }
0xe6: {  	[sflag:s0] =	ssyncadd.s32 $0xFFFFF000  }
0xe7: {  	_ =	swait.ge [sflag:s0], $0x1000  }
0xe8: {  	[sflag:s0] =	ssyncset.done $0x0  }
0xe9: {  	[sflag:s0] =	ssyncadd.s32 $0xFFFFF000  }
0xea: {  	_ =	swait.ge [sflag:s0], $0x1000  }
0xeb: {  	[sflag:s0] =	ssyncset.done $0x0  }
0xec: {  	s10 =	simm.s32 $0x1480;
	[sflag:s0] =	ssyncadd.s32 $0xFFFFF000  }
0xed: {  	[spmem:s2] =	stream.indirect.scatter.add.f32 [tilespmem:s24], [sflag:$0x3], $0x80, s10, s23, $0xb8;
	[tilespmem:$0x1E800] =	vst v63  }
0xee: {  	_ =	swait.ge [sflag:s14], $0x4000  }
0xef: {  	[sflag:s14] =	ssyncset.done $0x0  }
0xf0: {  	s15 =	simm.s32 $0x180;
	[sflag:s14] =	ssyncadd.s32 $0xFFFFC000  }
0xf1: {  	[tilespmem:s24], [sflag:$0x2] =	stream.indirect.gather [hbm4b:s4+s16], $0x80, s15, s16, $0xb8;
	[tilespmem:$0x1E800] =	vst v63  }
0xf2: {  	s10 =	simm.s32 $0x1A0  }
0xf3: {  	[tilespmem:s26], [sflag:$0x2] =	stream.indirect.gather [hbm4b:s4+s16], $0x80, s10, s16, $0xb8;
	[tilespmem:$0x1E800] =	vst v63  }
0xf4: {  	s15 =	simm.s32 $0x1C0  }
0xf5: {  	[tilespmem:s29], [sflag:$0x2] =	stream.indirect.gather [hbm4b:s4+s16], $0x80, s15, s16, $0xb8;
	[tilespmem:$0x1E800] =	vst v63  }
0xf6: {  	s9 =	simm.s32 $0x1E0;
	s15 =	simm.s32 $0x400  }
.LBB2_4:
0xf7: {  	[tilespmem:s31], [sflag:$0x2] =	stream.indirect.gather [hbm4b:s4+s16], $0x80, s9, s16, $0xb8;
	[tilespmem:$0x1E800] =	vst v63  }
0xf8: {  	s9 =	smov.u32 s15  }
0xf9: {  	p0 =	sne.s32 s15, $0x4800;
	s15 =	sadd.s32 $0x400, s15;
	_ =	swait.ge [sflag:s1], $0x1000  }
0xfa: {  	[sflag:s1] =	ssyncset.done $0x0  }
0xfb: {  	[sflag:s1] =	ssyncadd.s32 $0xFFFFF000  }
0xfc: {  	_ =	swait.ge [sflag:s1], $0x1000  }
0xfd: {  	[sflag:s1] =	ssyncset.done $0x0  }
0xfe: {  	[sflag:s1] =	ssyncadd.s32 $0xFFFFF000  }
0xff: {  	_ =	swait.ge [sflag:s1], $0x1000  }
0x100: {  	[sflag:s1] =	ssyncset.done $0x0  }
0x101: {  	[sflag:s1] =	ssyncadd.s32 $0xFFFFF000  }
0x102: {  	_ =	swait.ge [sflag:s1], $0x1000  }
0x103: {  	s9 =	sshra.s32 s9, $0x2;
	[sflag:s1] =	ssyncset.done $0x0  }
0x104: {  	s10 =	sadd.s32 $0x1400, s9;
	[sflag:s1] =	ssyncadd.s32 $0xFFFFF000  }
0x105: {  	[spmem:s2] =	stream.indirect.scatter.add.f32 [tilespmem:s17], [sflag:$0x3], $0x80, s10, s23, $0xb8;
	[tilespmem:$0x1E800] =	vst v63  }
0x106: {  	_ =	swait.ge [sflag:s14], $0x4000  }
0x107: {  	[sflag:s14] =	ssyncset.done $0x0  }
0x108: {  	s10 =	sadd.s32 $0x100, s9;
	[sflag:s14] =	ssyncadd.s32 $0xFFFFC000  }
0x109: {  	[tilespmem:s17], [sflag:$0x1] =	stream.indirect.gather [hbm4b:s4+s16], $0x80, s10, s16, $0xb8;
	[tilespmem:$0x1E800] =	vst v63  }
0x10a: {  	s10 =	sadd.s32 $0x120, s9  }
0x10b: {  	[tilespmem:s18], [sflag:$0x1] =	stream.indirect.gather [hbm4b:s4+s16], $0x80, s10, s16, $0xb8;
	[tilespmem:$0x1E800] =	vst v63  }
0x10c: {  	s10 =	sadd.s32 $0x140, s9  }
0x10d: {  	[tilespmem:s20], [sflag:$0x1] =	stream.indirect.gather [hbm4b:s4+s16], $0x80, s10, s16, $0xb8;
	[tilespmem:$0x1E800] =	vst v63  }
0x10e: {  	s10 =	sadd.s32 $0x160, s9  }
0x10f: {  	[tilespmem:s22], [sflag:$0x1] =	stream.indirect.gather [hbm4b:s4+s16], $0x80, s10, s16, $0xb8;
	[tilespmem:$0x1E800] =	vst v63  }
0x110: {  	_ =	swait.ge [sflag:s0], $0x1000  }
0x111: {  	[sflag:s0] =	ssyncset.done $0x0  }
0x112: {  	[sflag:s0] =	ssyncadd.s32 $0xFFFFF000  }
0x113: {  	_ =	swait.ge [sflag:s0], $0x1000  }
0x114: {  	[sflag:s0] =	ssyncset.done $0x0  }
0x115: {  	[sflag:s0] =	ssyncadd.s32 $0xFFFFF000  }
0x116: {  	_ =	swait.ge [sflag:s0], $0x1000  }
0x117: {  	[sflag:s0] =	ssyncset.done $0x0  }
0x118: {  	[sflag:s0] =	ssyncadd.s32 $0xFFFFF000  }
0x119: {  	_ =	swait.ge [sflag:s0], $0x1000  }
0x11a: {  	[sflag:s0] =	ssyncset.done $0x0  }
0x11b: {  	s10 =	sadd.s32 $0x1480, s9;
	[sflag:s0] =	ssyncadd.s32 $0xFFFFF000  }
0x11c: {  	[spmem:s2] =	stream.indirect.scatter.add.f32 [tilespmem:s24], [sflag:$0x3], $0x80, s10, s23, $0xb8;
	[tilespmem:$0x1E800] =	vst v63  }
0x11d: {  	_ =	swait.ge [sflag:s14], $0x4000  }
0x11e: {  	[sflag:s14] =	ssyncset.done $0x0  }
0x11f: {  	s10 =	sadd.s32 $0x180, s9;
	[sflag:s14] =	ssyncadd.s32 $0xFFFFC000  }
0x120: {  	[tilespmem:s24], [sflag:$0x2] =	stream.indirect.gather [hbm4b:s4+s16], $0x80, s10, s16, $0xb8;
	[tilespmem:$0x1E800] =	vst v63  }
.Ltmp1:
0x121: {  	s10 =	sadd.s32 $0x1A0, s9;
	(pc) =	sbr.rel @p0 .LBB2_4-.Ltmp1, $4  }
0x122: {  	[tilespmem:s26], [sflag:$0x2] =	stream.indirect.gather [hbm4b:s4+s16], $0x80, s10, s16, $0xb8;
	[tilespmem:$0x1E800] =	vst v63  }
0x123: {  	s10 =	sadd.s32 $0x1C0, s9  }
0x124: {  	[tilespmem:s29], [sflag:$0x2] =	stream.indirect.gather [hbm4b:s4+s16], $0x80, s10, s16, $0xb8;
	[tilespmem:$0x1E800] =	vst v63  }
0x125: {  	s9 =	sadd.s32 $0x1E0, s9  }
0x126: {  	[tilespmem:s31], [sflag:$0x2] =	stream.indirect.gather [hbm4b:s4+s16], $0x80, s9, s16, $0xb8;
	[tilespmem:$0x1E800] =	vst v63  }
0x127: {  	_ =	swait.ge [sflag:s1], $0x1000  }
0x128: {  	[sflag:s1] =	ssyncset.done $0x0  }
0x129: {  	[sflag:s1] =	ssyncadd.s32 $0xFFFFF000  }
0x12a: {  	_ =	swait.ge [sflag:s1], $0x1000  }
0x12b: {  	[sflag:s1] =	ssyncset.done $0x0  }
0x12c: {  	[sflag:s1] =	ssyncadd.s32 $0xFFFFF000  }
0x12d: {  	_ =	swait.ge [sflag:s1], $0x1000  }
0x12e: {  	[sflag:s1] =	ssyncset.done $0x0  }
0x12f: {  	[sflag:s1] =	ssyncadd.s32 $0xFFFFF000  }
0x130: {  	_ =	swait.ge [sflag:s1], $0x1000  }
0x131: {  	[sflag:s1] =	ssyncset.done $0x0  }
0x132: {  	[sflag:s1] =	ssyncadd.s32 $0xFFFFF000  }
0x133: {  	[spmem:s2] =	stream.indirect.scatter.add.f32 [tilespmem:s17], [sflag:$0x3], $0x80, s5, s23, $0xb8;
	[tilespmem:$0x1E800] =	vst v63  }
0x134: {  	_ =	swait.ge [sflag:s14], $0x4000  }
0x135: {  	[sflag:s14] =	ssyncset.done $0x0  }
0x136: {  	[sflag:s14] =	ssyncadd.s32 $0xFFFFC000  }
0x137: {  	_ =	swait.ge [sflag:s0], $0x1000  }
0x138: {  	[sflag:s0] =	ssyncset.done $0x0  }
0x139: {  	[sflag:s0] =	ssyncadd.s32 $0xFFFFF000  }
0x13a: {  	_ =	swait.ge [sflag:s0], $0x1000  }
0x13b: {  	[sflag:s0] =	ssyncset.done $0x0  }
0x13c: {  	[sflag:s0] =	ssyncadd.s32 $0xFFFFF000  }
0x13d: {  	_ =	swait.ge [sflag:s0], $0x1000  }
0x13e: {  	[sflag:s0] =	ssyncset.done $0x0  }
0x13f: {  	[sflag:s0] =	ssyncadd.s32 $0xFFFFF000  }
0x140: {  	_ =	swait.ge [sflag:s0], $0x1000  }
0x141: {  	[sflag:s0] =	ssyncset.done $0x0  }
0x142: {  	[sflag:s0] =	ssyncadd.s32 $0xFFFFF000  }
0x143: {  	[spmem:s2] =	stream.indirect.scatter.add.f32 [tilespmem:s24], [sflag:$0x3], $0x80, s7, s23, $0xb8;
	[tilespmem:$0x1E800] =	vst v63  }
0x144: {  	_ =	swait.ge [sflag:s14], $0x4000  }
0x145: {  	s8 =	sadd.s32 $0x1, s8;
	[sflag:s14] =	ssyncset.done $0x0  }
0x146: {  	p0 =	sne.s32 s8, s12;
	[sflag:s14] =	ssyncadd.s32 $0xFFFFC000  }
.Ltmp2:
0x147: {  	[bflag:$0x0] =	sbarrier.arrive $0xFFFF;
	(pc) =	sbr.rel @p0 .LBB2_1-.Ltmp2, $4  }
0x148: {  	[hbm:s11], [sflag:s6] =	dma.local [spmem:s13], $0x2800  }
0x149: {  	_ =	swait.ge [sflag:s14], $0x2800  }
0x14a: {  	[sflag:s14] =	ssyncset.done $0x0  }
0x14b: {  	[sflag:s14] =	ssyncadd.s32 $0xFFFFD800  }
0x14c: {  	_ =	sfence.sel $0x180000  }
0x14d: {  	[bflag:$0x0] =	sbarrier.arrive $0xFFFF  }
0x14e: {  	_ =	strace $0x9000004A  }
0x14f: {  	s0 =	stileid.u32;
	[bflag:$0x2] =	sbarrier.arrive $0xFFFF  }
0x150: {  	p0 =	sne.s32 s0, $0x0;
	s0 =	rddreg [dreg:$0x2]  }
0x151: {  	s0 =	sadd.s32 @!p0 $0x100000, s0  }
0x152: {  	[sflag:s0] =	ssyncadd.tile.s32 @!p0 $0x1;
	_ =	shalt  }
.Lfunc_end2:
_tile_overlayer_lowered:
.L_overlay_start_2:
0x153: {  	(tag) =	ssettag $0x2  }
0x154: {  	s0 =	rddreg [dreg:$0x0];
	s2 =	stileid.u32  }
0x155: {  	s1 =	rddreg [dreg:$0x1];
	p0 =	sne.s32 s2, $0x0  }
0x156: {  	s3 =	rddreg [dreg:$0x2];
	[bflag:$0x3] =	sbarrier.arrive $0xFFFF;
	s2 =	simm.s32 @!p0 $0x1C03  }
0x157: {  	[timem:s3], [sflag:s2] =	dma.local @!p0 [hbm:s0], s1  }
0x158: {  	s0 =	simm.s32 @!p0 $0x3  }
0x159: {  	_ =	swait.ge @!p0 [sflag:s0], s1  }
0x15a: {  	s1 =	ssub.s32 @!p0 $0x0, s1;
	[sflag:s0] =	ssyncset.done @!p0 $0x0  }
0x15b: {  	[sflag:s0] =	ssyncadd.s32 @!p0 s1  }
0x15c: {  	[bflag:$0x3] =	sbarrier.arrive $0xFFFF  }
0x15d: {  	_ =	shalt  }

</sc_bundles>
